<compile_context>
chip_gen: v7x
topology: tpu7x:2x2x1
jax: 0.10.2.dev20260603
libtpu: 0.0.44.dev20260713+nightly
codegen_flags: <defaults>
</compile_context>

<pallas_src>
import functools

import jax
import jax.numpy as jnp
from jax import lax
from jax.experimental import pallas as pl
from jax.experimental.pallas import tpu as pltpu
from jax.experimental.pallas import tpu_sc as plsc

_NUM_CLASSES = 100000
_D = 64
_B = 16384
_LAMBDA_C = 0.003

_INFO = plsc.get_sparse_core_info()
_NC, _NS, _L = _INFO.num_cores, _INFO.num_subcores, _INFO.num_lanes
_NW = _NC * _NS
_ROUNDS = _D // _NW
_FCH = 4096
_NCH = _B // _FCH
_TOT = _ROUNDS * _NCH
_UNROLL = 8


@functools.partial(
    pl.kernel,
    out_type=jax.ShapeDtypeStruct((_NW * _L,), jnp.float32),
    mesh=plsc.VectorSubcoreMesh(core_axis_name="c", subcore_axis_name="s"),
    scratch_types=[
        pltpu.VMEM((_B,), jnp.int32),
        pltpu.VMEM((_NUM_CLASSES,), jnp.float32),
        pltpu.VMEM((2, _FCH), jnp.float32),
        pltpu.VMEM((_L,), jnp.float32),
        pltpu.SemaphoreType.DMA,
        pltpu.SemaphoreType.DMA,
        pltpu.SemaphoreType.DMA,
        pltpu.SemaphoreType.DMA,
    ],
    compiler_params=pltpu.CompilerParams(needs_layout_passes=False),
)
def _center_loss_sc(ft_hbm, idx_hbm, ct_hbm, out_hbm,
                    idx_v, ct_v, ft_v, part_v, isem, csem, fsem0, fsem1):
    wid = lax.axis_index("s") * _NC + lax.axis_index("c")
    fsems = (fsem0, fsem1)

    def dim_of(k):
        return jnp.where(k >= _NCH, wid + _NW, wid)

    def fire_ft(k, buf):
        pltpu.async_copy(
            ft_hbm.at[dim_of(k), pl.ds(lax.rem(k, _NCH) * _FCH, _FCH)],
            ft_v.at[buf], fsems[buf])

    def fire_ct(d):
        pltpu.async_copy(ct_hbm.at[d], ct_v, csem)

    def wait_ct():
        pltpu.make_async_copy(ct_hbm.at[0], ct_v, csem).wait()

    idx_cp = pltpu.async_copy(idx_hbm, idx_v, isem)
    fire_ct(wid)
    idx_cp.wait()
    fire_ft(jnp.int32(0), 0)

    def pair_body(j, accs):
        for b in range(2):
            k = j * 2 + b
            @pl.when(k == 0)
            def _():
                wait_ct()

            @pl.when(k == _NCH)
            def _():
                wait_ct()

            pltpu.make_async_copy(
                ft_hbm.at[0, pl.ds(0, _FCH)], ft_v.at[b], fsems[b]).wait()

            @pl.when(k + 1 < _TOT)
            def _():
                fire_ft(k + 1, (b + 1) % 2)

            kbase = lax.rem(k, _NCH) * _FCH

            def grp_body(i, accs, b=b, kbase=kbase):
                out = []
                ibase = i * (_L * _UNROLL)
                for u in range(_UNROLL):
                    off = ibase + u * _L
                    labs = idx_v[pl.ds(kbase + off, _L)]
                    c = plsc.load_gather(ct_v, [labs])
                    f = ft_v[b, pl.ds(off, _L)]
                    e = f - c
                    out.append(accs[u] + e * e)
                return tuple(out)

            accs = lax.fori_loop(0, _FCH // (_L * _UNROLL), grp_body, accs)

            @pl.when(k == _NCH - 1)
            def _():
                fire_ct(wid + _NW)

        return accs

    zero = jnp.zeros((_L,), jnp.float32)
    accs = lax.fori_loop(0, _TOT // 2, pair_body, (zero,) * _UNROLL)

    t = list(accs)
    while len(t) > 1:
        t = [t[i] + t[i + 1] for i in range(0, len(t), 2)]
    total = t[0]
    part_v[...] = total * (_LAMBDA_C / float(_B * _D))
    pltpu.sync_copy(part_v, out_hbm.at[pl.ds(wid * _L, _L)])


def kernel(features, labels, centers):
    partials = _center_loss_sc(
        features.T, labels.astype(jnp.int32), centers.T)
    return jnp.sum(partials)

# --- scband reference (transcript-rebuilt; emitter-appended) ---
"""Pipeline reference for scband-center-loss-12601434046700 (READ-ONLY COPY).

The authoritative reference and input builder live on the scoring server;
editing this copy changes nothing except your own understanding.
"""

import jax, jax.numpy as jnp
import numpy as np

NUM_CLASSES = 100000
FEATURE_DIM = 64
BATCH = 16384
LAMBDA_C = 0.003


def setup_inputs(seed: int = 0) -> dict:
    key = jax.random.key(seed)
    k1, k2, k3 = jax.random.split(key, 3)
    features = jax.random.normal(k1, (BATCH, FEATURE_DIM), dtype=jnp.float32)
    labels = jax.random.randint(k2, (BATCH,), 0, NUM_CLASSES, dtype=jnp.int64 if jax.config.jax_enable_x64 else jnp.int32)
    centers = jax.random.normal(k3, (NUM_CLASSES, FEATURE_DIM), dtype=jnp.float32)
    return {"features": features, "labels": labels, "centers": centers}


def reference(features, labels, centers):
    # centers_batch = centers.index_select(0, labels)
    centers_batch = jnp.take(centers, labels, axis=0)
    # F.mse_loss with default reduction='mean'
    loss = jnp.mean((features - centers_batch) ** 2)
    return LAMBDA_C * loss

if __name__ == "__main__":
    import jax
    _d = setup_inputs()
    print(jax.jit(kernel)(*tuple(_d.values())))

</pallas_src>

<mosaic_0001>
#map = affine_map<(d0, d1) -> (0, 0)>
#map1 = affine_map<(d0, d1) -> (0)>
module attributes {stable_mosaic.version = 14 : i64} {
  func.func @_center_loss_sc(%arg0: i32, %arg1: i32, %arg2: memref<64x16384xf32, #tpu.memory_space<hbm>>, %arg3: memref<16384xi32, #tpu.memory_space<hbm>>, %arg4: memref<64x100000xf32, #tpu.memory_space<hbm>>, %arg5: memref<512xf32, #tpu.memory_space<hbm>>, %arg6: memref<16384xi32, #tpu.memory_space<vmem>>, %arg7: memref<100000xf32, #tpu.memory_space<vmem>>, %arg8: memref<2x4096xf32, #tpu.memory_space<vmem>>, %arg9: memref<16xf32, #tpu.memory_space<vmem>>, %arg10: memref<!tpu.dma_semaphore, #tpu.memory_space<semaphore_mem>>, %arg11: memref<!tpu.dma_semaphore, #tpu.memory_space<semaphore_mem>>, %arg12: memref<!tpu.dma_semaphore, #tpu.memory_space<semaphore_mem>>, %arg13: memref<!tpu.dma_semaphore, #tpu.memory_space<semaphore_mem>>) attributes {dimension_semantics = [#tpu.dimension_semantics<core_parallel>, #tpu.dimension_semantics<subcore_parallel>], iteration_bounds = array<i64: 2, 16>, scalar_prefetch = 0 : i64, scratch_operands = 8 : i64, tpu.core_type = #tpu.core_type<sc_vector_subcore>, window_params = [{transform_indices = #map}, {transform_indices = #map1}, {transform_indices = #map}, {transform_indices = #map1}]} {
    %mul3A = arith.constant 2 : i32
    %mul3A_0 = arith.muli %arg1, %mul3A : i32
    %add3A = arith.addi %mul3A_0, %arg0 : i32
    tpu.enqueue_dma source(%arg3 : memref<16384xi32, #tpu.memory_space<hbm>>) target(%arg6 : memref<16384xi32, #tpu.memory_space<vmem>>) target_semaphore(%arg10 : memref<!tpu.dma_semaphore, #tpu.memory_space<semaphore_mem>>)
    %dma_start3A = arith.constant 0 : i32
    %dma_start3A_1 = tpu.memref_slice %arg4[%add3A, %dma_start3A] : memref<64x100000xf32, #tpu.memory_space<hbm>> -> memref<1x100000xf32, #tpu.memory_space<hbm>>
    %dma_start3A_2 = tpu.memref_squeeze %dma_start3A_1 : memref<1x100000xf32, #tpu.memory_space<hbm>> -> memref<100000xf32, #tpu.memory_space<hbm>>
    %dma_start3A_3 = arith.constant 0 : i32
    %dma_start3A_4 = tpu.memref_slice %arg4[%add3A, %dma_start3A_3] : memref<64x100000xf32, #tpu.memory_space<hbm>> -> memref<1x100000xf32, #tpu.memory_space<hbm>>
    %dma_start3A_5 = tpu.memref_squeeze %dma_start3A_4 : memref<1x100000xf32, #tpu.memory_space<hbm>> -> memref<100000xf32, #tpu.memory_space<hbm>>
    tpu.enqueue_dma source(%dma_start3A_5 : memref<100000xf32, #tpu.memory_space<hbm>>) target(%arg7 : memref<100000xf32, #tpu.memory_space<vmem>>) target_semaphore(%arg11 : memref<!tpu.dma_semaphore, #tpu.memory_space<semaphore_mem>>)
    tpu.wait_dma2 semaphore(%arg10 : memref<!tpu.dma_semaphore, #tpu.memory_space<semaphore_mem>>) src(%arg3 : memref<16384xi32, #tpu.memory_space<hbm>>) dst(%arg6 : memref<16384xi32, #tpu.memory_space<vmem>>)
    %ge3A = arith.constant 0 : i32
    %ge3A_6 = arith.constant 4 : i32
    %ge3A_7 = arith.cmpi sge, %ge3A, %ge3A_6 : i32
    %add3A_8 = arith.constant 32 : i32
    %add3A_9 = arith.addi %add3A, %add3A_8 : i32
    %select_n3A = arith.select %ge3A_7, %add3A_9, %add3A : i32
    %rem3A = arith.constant 0 : i32
    %rem3A_10 = arith.constant 4 : i32
    %rem3A_11 = arith.remsi %rem3A, %rem3A_10 : i32
    %mul3A_12 = arith.constant 4096 : i32
    %mul3A_13 = arith.muli %rem3A_11, %mul3A_12 : i32
    %dma_start3A_14 = arith.constant 0 : i32
    %dma_start3A_15 = arith.constant 0 : i32
    %dma_start3A_16 = tpu.memref_slice %arg8[%dma_start3A_14, %dma_start3A_15] : memref<2x4096xf32, #tpu.memory_space<vmem>> -> memref<1x4096xf32, #tpu.memory_space<vmem>>
    %dma_start3A_17 = tpu.memref_squeeze %dma_start3A_16 : memref<1x4096xf32, #tpu.memory_space<vmem>> -> memref<4096xf32, #tpu.memory_space<vmem>>
    %dma_start3A_18 = tpu.memref_slice %arg2[%select_n3A, %mul3A_13] : memref<64x16384xf32, #tpu.memory_space<hbm>> -> memref<1x4096xf32, #tpu.memory_space<hbm>>
    %dma_start3A_19 = tpu.memref_squeeze %dma_start3A_18 : memref<1x4096xf32, #tpu.memory_space<hbm>> -> memref<4096xf32, #tpu.memory_space<hbm>>
    %dma_start3A_20 = arith.constant 0 : i32
    %dma_start3A_21 = tpu.memref_slice %arg8[%dma_start3A_14, %dma_start3A_20] : memref<2x4096xf32, #tpu.memory_space<vmem>> -> memref<1x4096xf32, #tpu.memory_space<vmem>>
    %dma_start3A_22 = tpu.memref_squeeze %dma_start3A_21 : memref<1x4096xf32, #tpu.memory_space<vmem>> -> memref<4096xf32, #tpu.memory_space<vmem>>
    %dma_start3A_23 = tpu.memref_slice %arg2[%select_n3A, %mul3A_13] : memref<64x16384xf32, #tpu.memory_space<hbm>> -> memref<1x4096xf32, #tpu.memory_space<hbm>>
    %dma_start3A_24 = tpu.memref_squeeze %dma_start3A_23 : memref<1x4096xf32, #tpu.memory_space<hbm>> -> memref<4096xf32, #tpu.memory_space<hbm>>
    tpu.enqueue_dma source(%dma_start3A_24 : memref<4096xf32, #tpu.memory_space<hbm>>) target(%dma_start3A_22 : memref<4096xf32, #tpu.memory_space<vmem>>) target_semaphore(%arg12 : memref<!tpu.dma_semaphore, #tpu.memory_space<semaphore_mem>>)
    %broadcast_in_dim3A = arith.constant 0.000000e+00 : f32
    %broadcast_in_dim3A_25 = vector.broadcast %broadcast_in_dim3A : f32 to vector<16xf32>
    %scan3A = arith.constant 0 : i32
    %scan3A_26 = arith.constant 4 : i32
    %scan3A_27 = arith.addi %scan3A, %scan3A_26 : i32
    %scan3A_28 = arith.constant 1 : i32
    %scan3A_29:8 = scf.for %scan3A_44 = %scan3A to %scan3A_27 step %scan3A_28 iter_args(%scan3A_45 = %broadcast_in_dim3A_25, %scan3A_46 = %broadcast_in_dim3A_25, %scan3A_47 = %broadcast_in_dim3A_25, %scan3A_48 = %broadcast_in_dim3A_25, %scan3A_49 = %broadcast_in_dim3A_25, %scan3A_50 = %broadcast_in_dim3A_25, %scan3A_51 = %broadcast_in_dim3A_25, %scan3A_52 = %broadcast_in_dim3A_25) -> (vector<16xf32>, vector<16xf32>, vector<16xf32>, vector<16xf32>, vector<16xf32>, vector<16xf32>, vector<16xf32>, vector<16xf32>)  : i32 {
      %mul3A_53 = arith.constant 2 : i32
      %mul3A_54 = arith.muli %scan3A_44, %mul3A_53 : i32
      %add3A_55 = arith.constant 0 : i32
      %add3A_56 = arith.addi %mul3A_54, %add3A_55 : i32
      %eq3A = arith.constant 0 : i32
      %eq3A_57 = arith.cmpi eq, %add3A_56, %eq3A : i32
      %convert_element_type3A = arith.extui %eq3A_57 : i1 to i32
      %cond3A = arith.constant 0 : i32
      %cond3A_58 = arith.cmpi ne, %convert_element_type3A, %cond3A : i32
      scf.if %cond3A_58 {
        %dma_wait3A_148 = arith.constant 0 : i32
        %dma_wait3A_149 = arith.constant 0 : i32
        %dma_wait3A_150 = tpu.memref_slice %arg4[%dma_wait3A_148, %dma_wait3A_149] : memref<64x100000xf32, #tpu.memory_space<hbm>> -> memref<1x100000xf32, #tpu.memory_space<hbm>>
        %dma_wait3A_151 = tpu.memref_squeeze %dma_wait3A_150 : memref<1x100000xf32, #tpu.memory_space<hbm>> -> memref<100000xf32, #tpu.memory_space<hbm>>
        %dma_wait3A_152 = arith.constant 0 : i32
        %dma_wait3A_153 = tpu.memref_slice %arg4[%dma_wait3A_148, %dma_wait3A_152] : memref<64x100000xf32, #tpu.memory_space<hbm>> -> memref<1x100000xf32, #tpu.memory_space<hbm>>
        %dma_wait3A_154 = tpu.memref_squeeze %dma_wait3A_153 : memref<1x100000xf32, #tpu.memory_space<hbm>> -> memref<100000xf32, #tpu.memory_space<hbm>>
        tpu.wait_dma2 semaphore(%arg11 : memref<!tpu.dma_semaphore, #tpu.memory_space<semaphore_mem>>) src(%dma_wait3A_154 : memref<100000xf32, #tpu.memory_space<hbm>>) dst(%arg7 : memref<100000xf32, #tpu.memory_space<vmem>>)
      } else {
      }
      %eq3A_59 = arith.constant 4 : i32
      %eq3A_60 = arith.cmpi eq, %add3A_56, %eq3A_59 : i32
      %convert_element_type3A_61 = arith.extui %eq3A_60 : i1 to i32
      %cond3A_62 = arith.constant 0 : i32
      %cond3A_63 = arith.cmpi ne, %convert_element_type3A_61, %cond3A_62 : i32
      scf.if %cond3A_63 {
        %dma_wait3A_148 = arith.constant 0 : i32
        %dma_wait3A_149 = arith.constant 0 : i32
        %dma_wait3A_150 = tpu.memref_slice %arg4[%dma_wait3A_148, %dma_wait3A_149] : memref<64x100000xf32, #tpu.memory_space<hbm>> -> memref<1x100000xf32, #tpu.memory_space<hbm>>
        %dma_wait3A_151 = tpu.memref_squeeze %dma_wait3A_150 : memref<1x100000xf32, #tpu.memory_space<hbm>> -> memref<100000xf32, #tpu.memory_space<hbm>>
        %dma_wait3A_152 = arith.constant 0 : i32
        %dma_wait3A_153 = tpu.memref_slice %arg4[%dma_wait3A_148, %dma_wait3A_152] : memref<64x100000xf32, #tpu.memory_space<hbm>> -> memref<1x100000xf32, #tpu.memory_space<hbm>>
        %dma_wait3A_154 = tpu.memref_squeeze %dma_wait3A_153 : memref<1x100000xf32, #tpu.memory_space<hbm>> -> memref<100000xf32, #tpu.memory_space<hbm>>
        tpu.wait_dma2 semaphore(%arg11 : memref<!tpu.dma_semaphore, #tpu.memory_space<semaphore_mem>>) src(%dma_wait3A_154 : memref<100000xf32, #tpu.memory_space<hbm>>) dst(%arg7 : memref<100000xf32, #tpu.memory_space<vmem>>)
      } else {
      }
      %dma_wait3A = arith.constant 0 : i32
      %dma_wait3A_64 = arith.constant 0 : i32
      %dma_wait3A_65 = arith.constant 0 : i32
      %dma_wait3A_66 = tpu.memref_slice %arg8[%dma_wait3A_64, %dma_wait3A_65] : memref<2x4096xf32, #tpu.memory_space<vmem>> -> memref<1x4096xf32, #tpu.memory_space<vmem>>
      %dma_wait3A_67 = tpu.memref_squeeze %dma_wait3A_66 : memref<1x4096xf32, #tpu.memory_space<vmem>> -> memref<4096xf32, #tpu.memory_space<vmem>>
      %dma_wait3A_68 = arith.constant 0 : i32
      %dma_wait3A_69 = tpu.memref_slice %arg2[%dma_wait3A, %dma_wait3A_68] : memref<64x16384xf32, #tpu.memory_space<hbm>> -> memref<1x4096xf32, #tpu.memory_space<hbm>>
      %dma_wait3A_70 = tpu.memref_squeeze %dma_wait3A_69 : memref<1x4096xf32, #tpu.memory_space<hbm>> -> memref<4096xf32, #tpu.memory_space<hbm>>
      %dma_wait3A_71 = arith.constant 0 : i32
      %dma_wait3A_72 = tpu.memref_slice %arg8[%dma_wait3A_64, %dma_wait3A_71] : memref<2x4096xf32, #tpu.memory_space<vmem>> -> memref<1x4096xf32, #tpu.memory_space<vmem>>
      %dma_wait3A_73 = tpu.memref_squeeze %dma_wait3A_72 : memref<1x4096xf32, #tpu.memory_space<vmem>> -> memref<4096xf32, #tpu.memory_space<vmem>>
      %dma_wait3A_74 = arith.constant 0 : i32
      %dma_wait3A_75 = tpu.memref_slice %arg2[%dma_wait3A, %dma_wait3A_74] : memref<64x16384xf32, #tpu.memory_space<hbm>> -> memref<1x4096xf32, #tpu.memory_space<hbm>>
      %dma_wait3A_76 = tpu.memref_squeeze %dma_wait3A_75 : memref<1x4096xf32, #tpu.memory_space<hbm>> -> memref<4096xf32, #tpu.memory_space<hbm>>
      tpu.wait_dma2 semaphore(%arg12 : memref<!tpu.dma_semaphore, #tpu.memory_space<semaphore_mem>>) src(%dma_wait3A_76 : memref<4096xf32, #tpu.memory_space<hbm>>) dst(%dma_wait3A_73 : memref<4096xf32, #tpu.memory_space<vmem>>)
      %add3A_77 = arith.constant 1 : i32
      %add3A_78 = arith.addi %add3A_56, %add3A_77 : i32
      %lt3A = arith.constant 8 : i32
      %lt3A_79 = arith.cmpi slt, %add3A_78, %lt3A : i32
      %convert_element_type3A_80 = arith.extui %lt3A_79 : i1 to i32
      %cond3A_81 = arith.constant 0 : i32
      %cond3A_82 = arith.cmpi ne, %convert_element_type3A_80, %cond3A_81 : i32
      scf.if %cond3A_82 {
        %add3A_148 = arith.constant 1 : i32
        %add3A_149 = arith.addi %add3A_56, %add3A_148 : i32
        %ge3A_150 = arith.constant 4 : i32
        %ge3A_151 = arith.cmpi sge, %add3A_149, %ge3A_150 : i32
        %add3A_152 = arith.constant 32 : i32
        %add3A_153 = arith.addi %add3A, %add3A_152 : i32
        %select_n3A_154 = arith.select %ge3A_151, %add3A_153, %add3A : i32
        %rem3A_155 = arith.constant 4 : i32
        %rem3A_156 = arith.remsi %add3A_149, %rem3A_155 : i32
        %mul3A_157 = arith.constant 4096 : i32
        %mul3A_158 = arith.muli %rem3A_156, %mul3A_157 : i32
        %dma_start3A_159 = arith.constant 1 : i32
        %dma_start3A_160 = arith.constant 0 : i32
        %dma_start3A_161 = tpu.memref_slice %arg8[%dma_start3A_159, %dma_start3A_160] : memref<2x4096xf32, #tpu.memory_space<vmem>> -> memref<1x4096xf32, #tpu.memory_space<vmem>>
        %dma_start3A_162 = tpu.memref_squeeze %dma_start3A_161 : memref<1x4096xf32, #tpu.memory_space<vmem>> -> memref<4096xf32, #tpu.memory_space<vmem>>
        %dma_start3A_163 = tpu.memref_slice %arg2[%select_n3A_154, %mul3A_158] : memref<64x16384xf32, #tpu.memory_space<hbm>> -> memref<1x4096xf32, #tpu.memory_space<hbm>>
        %dma_start3A_164 = tpu.memref_squeeze %dma_start3A_163 : memref<1x4096xf32, #tpu.memory_space<hbm>> -> memref<4096xf32, #tpu.memory_space<hbm>>
        %dma_start3A_165 = arith.constant 0 : i32
        %dma_start3A_166 = tpu.memref_slice %arg8[%dma_start3A_159, %dma_start3A_165] : memref<2x4096xf32, #tpu.memory_space<vmem>> -> memref<1x4096xf32, #tpu.memory_space<vmem>>
        %dma_start3A_167 = tpu.memref_squeeze %dma_start3A_166 : memref<1x4096xf32, #tpu.memory_space<vmem>> -> memref<4096xf32, #tpu.memory_space<vmem>>
        %dma_start3A_168 = tpu.memref_slice %arg2[%select_n3A_154, %mul3A_158] : memref<64x16384xf32, #tpu.memory_space<hbm>> -> memref<1x4096xf32, #tpu.memory_space<hbm>>
        %dma_start3A_169 = tpu.memref_squeeze %dma_start3A_168 : memref<1x4096xf32, #tpu.memory_space<hbm>> -> memref<4096xf32, #tpu.memory_space<hbm>>
        tpu.enqueue_dma source(%dma_start3A_169 : memref<4096xf32, #tpu.memory_space<hbm>>) target(%dma_start3A_167 : memref<4096xf32, #tpu.memory_space<vmem>>) target_semaphore(%arg13 : memref<!tpu.dma_semaphore, #tpu.memory_space<semaphore_mem>>)
      } else {
      }
      %rem3A_83 = arith.constant 4 : i32
      %rem3A_84 = arith.remsi %add3A_56, %rem3A_83 : i32
      %mul3A_85 = arith.constant 4096 : i32
      %mul3A_86 = arith.muli %rem3A_84, %mul3A_85 : i32
      %scan3A_87 = arith.constant 0 : i32
      %scan3A_88 = arith.constant 32 : i32
      %scan3A_89 = arith.addi %scan3A_87, %scan3A_88 : i32
      %scan3A_90 = arith.constant 1 : i32
      %scan3A_91:8 = scf.for %scan3A_148 = %scan3A_87 to %scan3A_89 step %scan3A_90 iter_args(%scan3A_149 = %scan3A_45, %scan3A_150 = %scan3A_46, %scan3A_151 = %scan3A_47, %scan3A_152 = %scan3A_48, %scan3A_153 = %scan3A_49, %scan3A_154 = %scan3A_50, %scan3A_155 = %scan3A_51, %scan3A_156 = %scan3A_52) -> (vector<16xf32>, vector<16xf32>, vector<16xf32>, vector<16xf32>, vector<16xf32>, vector<16xf32>, vector<16xf32>, vector<16xf32>)  : i32 {
        %mul3A_157 = arith.constant 128 : i32
        %mul3A_158 = arith.muli %scan3A_148, %mul3A_157 : i32
        %add3A_159 = arith.constant 0 : i32
        %add3A_160 = arith.addi %mul3A_158, %add3A_159 : i32
        %add3A_161 = arith.addi %mul3A_86, %add3A_160 : i32
        %get3A = arith.index_cast %add3A_161 : i32 to index
        %get3A_162 = tpu.vector_load %arg6[%get3A] {strides = array<i32>} : memref<16384xi32, #tpu.memory_space<vmem>>, vector<16xi32>,
        %gather3A = tpu.vector_load_idx %arg7[%get3A_162] : memref<100000xf32, #tpu.memory_space<vmem>>[vector<16xi32>], vector<16xf32>,
        %get3A_163 = arith.constant 0 : i32
        %get3A_164 = arith.index_cast %get3A_163 : i32 to index
        %get3A_165 = arith.index_cast %add3A_160 : i32 to index
        %get3A_166 = tpu.vector_load %arg8[%get3A_164, %get3A_165] {strides = array<i32>} : memref<2x4096xf32, #tpu.memory_space<vmem>>, vector<16xf32>,
        %sub3A = arith.subf %get3A_166, %gather3A : vector<16xf32>
        %mul3A_167 = arith.mulf %sub3A, %sub3A : vector<16xf32>
        %add3A_168 = arith.addf %scan3A_149, %mul3A_167 : vector<16xf32>
        %add3A_169 = arith.constant 16 : i32
        %add3A_170 = arith.addi %mul3A_158, %add3A_169 : i32
        %add3A_171 = arith.addi %mul3A_86, %add3A_170 : i32
        %get3A_172 = arith.index_cast %add3A_171 : i32 to index
        %get3A_173 = tpu.vector_load %arg6[%get3A_172] {strides = array<i32>} : memref<16384xi32, #tpu.memory_space<vmem>>, vector<16xi32>,
        %gather3A_174 = tpu.vector_load_idx %arg7[%get3A_173] : memref<100000xf32, #tpu.memory_space<vmem>>[vector<16xi32>], vector<16xf32>,
        %get3A_175 = arith.constant 0 : i32
        %get3A_176 = arith.index_cast %get3A_175 : i32 to index
        %get3A_177 = arith.index_cast %add3A_170 : i32 to index
        %get3A_178 = tpu.vector_load %arg8[%get3A_176, %get3A_177] {strides = array<i32>} : memref<2x4096xf32, #tpu.memory_space<vmem>>, vector<16xf32>,
        %sub3A_179 = arith.subf %get3A_178, %gather3A_174 : vector<16xf32>
        %mul3A_180 = arith.mulf %sub3A_179, %sub3A_179 : vector<16xf32>
        %add3A_181 = arith.addf %scan3A_150, %mul3A_180 : vector<16xf32>
        %add3A_182 = arith.constant 32 : i32
        %add3A_183 = arith.addi %mul3A_158, %add3A_182 : i32
        %add3A_184 = arith.addi %mul3A_86, %add3A_183 : i32
        %get3A_185 = arith.index_cast %add3A_184 : i32 to index
        %get3A_186 = tpu.vector_load %arg6[%get3A_185] {strides = array<i32>} : memref<16384xi32, #tpu.memory_space<vmem>>, vector<16xi32>,
        %gather3A_187 = tpu.vector_load_idx %arg7[%get3A_186] : memref<100000xf32, #tpu.memory_space<vmem>>[vector<16xi32>], vector<16xf32>,
        %get3A_188 = arith.constant 0 : i32
        %get3A_189 = arith.index_cast %get3A_188 : i32 to index
        %get3A_190 = arith.index_cast %add3A_183 : i32 to index
        %get3A_191 = tpu.vector_load %arg8[%get3A_189, %get3A_190] {strides = array<i32>} : memref<2x4096xf32, #tpu.memory_space<vmem>>, vector<16xf32>,
        %sub3A_192 = arith.subf %get3A_191, %gather3A_187 : vector<16xf32>
        %mul3A_193 = arith.mulf %sub3A_192, %sub3A_192 : vector<16xf32>
        %add3A_194 = arith.addf %scan3A_151, %mul3A_193 : vector<16xf32>
        %add3A_195 = arith.constant 48 : i32
        %add3A_196 = arith.addi %mul3A_158, %add3A_195 : i32
        %add3A_197 = arith.addi %mul3A_86, %add3A_196 : i32
        %get3A_198 = arith.index_cast %add3A_197 : i32 to index
        %get3A_199 = tpu.vector_load %arg6[%get3A_198] {strides = array<i32>} : memref<16384xi32, #tpu.memory_space<vmem>>, vector<16xi32>,
        %gather3A_200 = tpu.vector_load_idx %arg7[%get3A_199] : memref<100000xf32, #tpu.memory_space<vmem>>[vector<16xi32>], vector<16xf32>,
        %get3A_201 = arith.constant 0 : i32
        %get3A_202 = arith.index_cast %get3A_201 : i32 to index
        %get3A_203 = arith.index_cast %add3A_196 : i32 to index
        %get3A_204 = tpu.vector_load %arg8[%get3A_202, %get3A_203] {strides = array<i32>} : memref<2x4096xf32, #tpu.memory_space<vmem>>, vector<16xf32>,
        %sub3A_205 = arith.subf %get3A_204, %gather3A_200 : vector<16xf32>
        %mul3A_206 = arith.mulf %sub3A_205, %sub3A_205 : vector<16xf32>
        %add3A_207 = arith.addf %scan3A_152, %mul3A_206 : vector<16xf32>
        %add3A_208 = arith.constant 64 : i32
        %add3A_209 = arith.addi %mul3A_158, %add3A_208 : i32
        %add3A_210 = arith.addi %mul3A_86, %add3A_209 : i32
        %get3A_211 = arith.index_cast %add3A_210 : i32 to index
        %get3A_212 = tpu.vector_load %arg6[%get3A_211] {strides = array<i32>} : memref<16384xi32, #tpu.memory_space<vmem>>, vector<16xi32>,
        %gather3A_213 = tpu.vector_load_idx %arg7[%get3A_212] : memref<100000xf32, #tpu.memory_space<vmem>>[vector<16xi32>], vector<16xf32>,
        %get3A_214 = arith.constant 0 : i32
        %get3A_215 = arith.index_cast %get3A_214 : i32 to index
        %get3A_216 = arith.index_cast %add3A_209 : i32 to index
        %get3A_217 = tpu.vector_load %arg8[%get3A_215, %get3A_216] {strides = array<i32>} : memref<2x4096xf32, #tpu.memory_space<vmem>>, vector<16xf32>,
        %sub3A_218 = arith.subf %get3A_217, %gather3A_213 : vector<16xf32>
        %mul3A_219 = arith.mulf %sub3A_218, %sub3A_218 : vector<16xf32>
        %add3A_220 = arith.addf %scan3A_153, %mul3A_219 : vector<16xf32>
        %add3A_221 = arith.constant 80 : i32
        %add3A_222 = arith.addi %mul3A_158, %add3A_221 : i32
        %add3A_223 = arith.addi %mul3A_86, %add3A_222 : i32
        %get3A_224 = arith.index_cast %add3A_223 : i32 to index
        %get3A_225 = tpu.vector_load %arg6[%get3A_224] {strides = array<i32>} : memref<16384xi32, #tpu.memory_space<vmem>>, vector<16xi32>,
        %gather3A_226 = tpu.vector_load_idx %arg7[%get3A_225] : memref<100000xf32, #tpu.memory_space<vmem>>[vector<16xi32>], vector<16xf32>,
        %get3A_227 = arith.constant 0 : i32
        %get3A_228 = arith.index_cast %get3A_227 : i32 to index
        %get3A_229 = arith.index_cast %add3A_222 : i32 to index
        %get3A_230 = tpu.vector_load %arg8[%get3A_228, %get3A_229] {strides = array<i32>} : memref<2x4096xf32, #tpu.memory_space<vmem>>, vector<16xf32>,
        %sub3A_231 = arith.subf %get3A_230, %gather3A_226 : vector<16xf32>
        %mul3A_232 = arith.mulf %sub3A_231, %sub3A_231 : vector<16xf32>
        %add3A_233 = arith.addf %scan3A_154, %mul3A_232 : vector<16xf32>
        %add3A_234 = arith.constant 96 : i32
        %add3A_235 = arith.addi %mul3A_158, %add3A_234 : i32
        %add3A_236 = arith.addi %mul3A_86, %add3A_235 : i32
        %get3A_237 = arith.index_cast %add3A_236 : i32 to index
        %get3A_238 = tpu.vector_load %arg6[%get3A_237] {strides = array<i32>} : memref<16384xi32, #tpu.memory_space<vmem>>, vector<16xi32>,
        %gather3A_239 = tpu.vector_load_idx %arg7[%get3A_238] : memref<100000xf32, #tpu.memory_space<vmem>>[vector<16xi32>], vector<16xf32>,
        %get3A_240 = arith.constant 0 : i32
        %get3A_241 = arith.index_cast %get3A_240 : i32 to index
        %get3A_242 = arith.index_cast %add3A_235 : i32 to index
        %get3A_243 = tpu.vector_load %arg8[%get3A_241, %get3A_242] {strides = array<i32>} : memref<2x4096xf32, #tpu.memory_space<vmem>>, vector<16xf32>,
        %sub3A_244 = arith.subf %get3A_243, %gather3A_239 : vector<16xf32>
        %mul3A_245 = arith.mulf %sub3A_244, %sub3A_244 : vector<16xf32>
        %add3A_246 = arith.addf %scan3A_155, %mul3A_245 : vector<16xf32>
        %add3A_247 = arith.constant 112 : i32
        %add3A_248 = arith.addi %mul3A_158, %add3A_247 : i32
        %add3A_249 = arith.addi %mul3A_86, %add3A_248 : i32
        %get3A_250 = arith.index_cast %add3A_249 : i32 to index
        %get3A_251 = tpu.vector_load %arg6[%get3A_250] {strides = array<i32>} : memref<16384xi32, #tpu.memory_space<vmem>>, vector<16xi32>,
        %gather3A_252 = tpu.vector_load_idx %arg7[%get3A_251] : memref<100000xf32, #tpu.memory_space<vmem>>[vector<16xi32>], vector<16xf32>,
        %get3A_253 = arith.constant 0 : i32
        %get3A_254 = arith.index_cast %get3A_253 : i32 to index
        %get3A_255 = arith.index_cast %add3A_248 : i32 to index
        %get3A_256 = tpu.vector_load %arg8[%get3A_254, %get3A_255] {strides = array<i32>} : memref<2x4096xf32, #tpu.memory_space<vmem>>, vector<16xf32>,
        %sub3A_257 = arith.subf %get3A_256, %gather3A_252 : vector<16xf32>
        %mul3A_258 = arith.mulf %sub3A_257, %sub3A_257 : vector<16xf32>
        %add3A_259 = arith.addf %scan3A_156, %mul3A_258 : vector<16xf32>
        scf.yield %add3A_168, %add3A_181, %add3A_194, %add3A_207, %add3A_220, %add3A_233, %add3A_246, %add3A_259 : vector<16xf32>, vector<16xf32>, vector<16xf32>, vector<16xf32>, vector<16xf32>, vector<16xf32>, vector<16xf32>, vector<16xf32>
      }
      %scan3A_92 = arith.constant 32 : i32
      %eq3A_93 = arith.constant 3 : i32
      %eq3A_94 = arith.cmpi eq, %add3A_56, %eq3A_93 : i32
      %convert_element_type3A_95 = arith.extui %eq3A_94 : i1 to i32
      %cond3A_96 = arith.constant 0 : i32
      %cond3A_97 = arith.cmpi ne, %convert_element_type3A_95, %cond3A_96 : i32
      scf.if %cond3A_97 {
        %add3A_148 = arith.constant 32 : i32
        %add3A_149 = arith.addi %add3A, %add3A_148 : i32
        %dma_start3A_150 = arith.constant 0 : i32
        %dma_start3A_151 = tpu.memref_slice %arg4[%add3A_149, %dma_start3A_150] : memref<64x100000xf32, #tpu.memory_space<hbm>> -> memref<1x100000xf32, #tpu.memory_space<hbm>>
        %dma_start3A_152 = tpu.memref_squeeze %dma_start3A_151 : memref<1x100000xf32, #tpu.memory_space<hbm>> -> memref<100000xf32, #tpu.memory_space<hbm>>
        %dma_start3A_153 = arith.constant 0 : i32
        %dma_start3A_154 = tpu.memref_slice %arg4[%add3A_149, %dma_start3A_153] : memref<64x100000xf32, #tpu.memory_space<hbm>> -> memref<1x100000xf32, #tpu.memory_space<hbm>>
        %dma_start3A_155 = tpu.memref_squeeze %dma_start3A_154 : memref<1x100000xf32, #tpu.memory_space<hbm>> -> memref<100000xf32, #tpu.memory_space<hbm>>
        tpu.enqueue_dma source(%dma_start3A_155 : memref<100000xf32, #tpu.memory_space<hbm>>) target(%arg7 : memref<100000xf32, #tpu.memory_space<vmem>>) target_semaphore(%arg11 : memref<!tpu.dma_semaphore, #tpu.memory_space<semaphore_mem>>)
      } else {
      }
      %mul3A_98 = arith.constant 2 : i32
      %mul3A_99 = arith.muli %scan3A_44, %mul3A_98 : i32
      %add3A_100 = arith.constant 1 : i32
      %add3A_101 = arith.addi %mul3A_99, %add3A_100 : i32
      %eq3A_102 = arith.constant 0 : i32
      %eq3A_103 = arith.cmpi eq, %add3A_101, %eq3A_102 : i32
      %convert_element_type3A_104 = arith.extui %eq3A_103 : i1 to i32
      %cond3A_105 = arith.constant 0 : i32
      %cond3A_106 = arith.cmpi ne, %convert_element_type3A_104, %cond3A_105 : i32
      scf.if %cond3A_106 {
        %dma_wait3A_148 = arith.constant 0 : i32
        %dma_wait3A_149 = arith.constant 0 : i32
        %dma_wait3A_150 = tpu.memref_slice %arg4[%dma_wait3A_148, %dma_wait3A_149] : memref<64x100000xf32, #tpu.memory_space<hbm>> -> memref<1x100000xf32, #tpu.memory_space<hbm>>
        %dma_wait3A_151 = tpu.memref_squeeze %dma_wait3A_150 : memref<1x100000xf32, #tpu.memory_space<hbm>> -> memref<100000xf32, #tpu.memory_space<hbm>>
        %dma_wait3A_152 = arith.constant 0 : i32
        %dma_wait3A_153 = tpu.memref_slice %arg4[%dma_wait3A_148, %dma_wait3A_152] : memref<64x100000xf32, #tpu.memory_space<hbm>> -> memref<1x100000xf32, #tpu.memory_space<hbm>>
        %dma_wait3A_154 = tpu.memref_squeeze %dma_wait3A_153 : memref<1x100000xf32, #tpu.memory_space<hbm>> -> memref<100000xf32, #tpu.memory_space<hbm>>
        tpu.wait_dma2 semaphore(%arg11 : memref<!tpu.dma_semaphore, #tpu.memory_space<semaphore_mem>>) src(%dma_wait3A_154 : memref<100000xf32, #tpu.memory_space<hbm>>) dst(%arg7 : memref<100000xf32, #tpu.memory_space<vmem>>)
      } else {
      }
      %eq3A_107 = arith.constant 4 : i32
      %eq3A_108 = arith.cmpi eq, %add3A_101, %eq3A_107 : i32
      %convert_element_type3A_109 = arith.extui %eq3A_108 : i1 to i32
      %cond3A_110 = arith.constant 0 : i32
      %cond3A_111 = arith.cmpi ne, %convert_element_type3A_109, %cond3A_110 : i32
      scf.if %cond3A_111 {
        %dma_wait3A_148 = arith.constant 0 : i32
        %dma_wait3A_149 = arith.constant 0 : i32
        %dma_wait3A_150 = tpu.memref_slice %arg4[%dma_wait3A_148, %dma_wait3A_149] : memref<64x100000xf32, #tpu.memory_space<hbm>> -> memref<1x100000xf32, #tpu.memory_space<hbm>>
        %dma_wait3A_151 = tpu.memref_squeeze %dma_wait3A_150 : memref<1x100000xf32, #tpu.memory_space<hbm>> -> memref<100000xf32, #tpu.memory_space<hbm>>
        %dma_wait3A_152 = arith.constant 0 : i32
        %dma_wait3A_153 = tpu.memref_slice %arg4[%dma_wait3A_148, %dma_wait3A_152] : memref<64x100000xf32, #tpu.memory_space<hbm>> -> memref<1x100000xf32, #tpu.memory_space<hbm>>
        %dma_wait3A_154 = tpu.memref_squeeze %dma_wait3A_153 : memref<1x100000xf32, #tpu.memory_space<hbm>> -> memref<100000xf32, #tpu.memory_space<hbm>>
        tpu.wait_dma2 semaphore(%arg11 : memref<!tpu.dma_semaphore, #tpu.memory_space<semaphore_mem>>) src(%dma_wait3A_154 : memref<100000xf32, #tpu.memory_space<hbm>>) dst(%arg7 : memref<100000xf32, #tpu.memory_space<vmem>>)
      } else {
      }
      %dma_wait3A_112 = arith.constant 0 : i32
      %dma_wait3A_113 = arith.constant 1 : i32
      %dma_wait3A_114 = arith.constant 0 : i32
      %dma_wait3A_115 = tpu.memref_slice %arg8[%dma_wait3A_113, %dma_wait3A_114] : memref<2x4096xf32, #tpu.memory_space<vmem>> -> memref<1x4096xf32, #tpu.memory_space<vmem>>
      %dma_wait3A_116 = tpu.memref_squeeze %dma_wait3A_115 : memref<1x4096xf32, #tpu.memory_space<vmem>> -> memref<4096xf32, #tpu.memory_space<vmem>>
      %dma_wait3A_117 = arith.constant 0 : i32
      %dma_wait3A_118 = tpu.memref_slice %arg2[%dma_wait3A_112, %dma_wait3A_117] : memref<64x16384xf32, #tpu.memory_space<hbm>> -> memref<1x4096xf32, #tpu.memory_space<hbm>>
      %dma_wait3A_119 = tpu.memref_squeeze %dma_wait3A_118 : memref<1x4096xf32, #tpu.memory_space<hbm>> -> memref<4096xf32, #tpu.memory_space<hbm>>
      %dma_wait3A_120 = arith.constant 0 : i32
      %dma_wait3A_121 = tpu.memref_slice %arg8[%dma_wait3A_113, %dma_wait3A_120] : memref<2x4096xf32, #tpu.memory_space<vmem>> -> memref<1x4096xf32, #tpu.memory_space<vmem>>
      %dma_wait3A_122 = tpu.memref_squeeze %dma_wait3A_121 : memref<1x4096xf32, #tpu.memory_space<vmem>> -> memref<4096xf32, #tpu.memory_space<vmem>>
      %dma_wait3A_123 = arith.constant 0 : i32
      %dma_wait3A_124 = tpu.memref_slice %arg2[%dma_wait3A_112, %dma_wait3A_123] : memref<64x16384xf32, #tpu.memory_space<hbm>> -> memref<1x4096xf32, #tpu.memory_space<hbm>>
      %dma_wait3A_125 = tpu.memref_squeeze %dma_wait3A_124 : memref<1x4096xf32, #tpu.memory_space<hbm>> -> memref<4096xf32, #tpu.memory_space<hbm>>
      tpu.wait_dma2 semaphore(%arg13 : memref<!tpu.dma_semaphore, #tpu.memory_space<semaphore_mem>>) src(%dma_wait3A_125 : memref<4096xf32, #tpu.memory_space<hbm>>) dst(%dma_wait3A_122 : memref<4096xf32, #tpu.memory_space<vmem>>)
      %add3A_126 = arith.constant 1 : i32
      %add3A_127 = arith.addi %add3A_101, %add3A_126 : i32
      %lt3A_128 = arith.constant 8 : i32
      %lt3A_129 = arith.cmpi slt, %add3A_127, %lt3A_128 : i32
      %convert_element_type3A_130 = arith.extui %lt3A_129 : i1 to i32
      %cond3A_131 = arith.constant 0 : i32
      %cond3A_132 = arith.cmpi ne, %convert_element_type3A_130, %cond3A_131 : i32
      scf.if %cond3A_132 {
        %add3A_148 = arith.constant 1 : i32
        %add3A_149 = arith.addi %add3A_101, %add3A_148 : i32
        %ge3A_150 = arith.constant 4 : i32
        %ge3A_151 = arith.cmpi sge, %add3A_149, %ge3A_150 : i32
        %add3A_152 = arith.constant 32 : i32
        %add3A_153 = arith.addi %add3A, %add3A_152 : i32
        %select_n3A_154 = arith.select %ge3A_151, %add3A_153, %add3A : i32
        %rem3A_155 = arith.constant 4 : i32
        %rem3A_156 = arith.remsi %add3A_149, %rem3A_155 : i32
        %mul3A_157 = arith.constant 4096 : i32
        %mul3A_158 = arith.muli %rem3A_156, %mul3A_157 : i32
        %dma_start3A_159 = arith.constant 0 : i32
        %dma_start3A_160 = arith.constant 0 : i32
        %dma_start3A_161 = tpu.memref_slice %arg8[%dma_start3A_159, %dma_start3A_160] : memref<2x4096xf32, #tpu.memory_space<vmem>> -> memref<1x4096xf32, #tpu.memory_space<vmem>>
        %dma_start3A_162 = tpu.memref_squeeze %dma_start3A_161 : memref<1x4096xf32, #tpu.memory_space<vmem>> -> memref<4096xf32, #tpu.memory_space<vmem>>
        %dma_start3A_163 = tpu.memref_slice %arg2[%select_n3A_154, %mul3A_158] : memref<64x16384xf32, #tpu.memory_space<hbm>> -> memref<1x4096xf32, #tpu.memory_space<hbm>>
        %dma_start3A_164 = tpu.memref_squeeze %dma_start3A_163 : memref<1x4096xf32, #tpu.memory_space<hbm>> -> memref<4096xf32, #tpu.memory_space<hbm>>
        %dma_start3A_165 = arith.constant 0 : i32
        %dma_start3A_166 = tpu.memref_slice %arg8[%dma_start3A_159, %dma_start3A_165] : memref<2x4096xf32, #tpu.memory_space<vmem>> -> memref<1x4096xf32, #tpu.memory_space<vmem>>
        %dma_start3A_167 = tpu.memref_squeeze %dma_start3A_166 : memref<1x4096xf32, #tpu.memory_space<vmem>> -> memref<4096xf32, #tpu.memory_space<vmem>>
        %dma_start3A_168 = tpu.memref_slice %arg2[%select_n3A_154, %mul3A_158] : memref<64x16384xf32, #tpu.memory_space<hbm>> -> memref<1x4096xf32, #tpu.memory_space<hbm>>
        %dma_start3A_169 = tpu.memref_squeeze %dma_start3A_168 : memref<1x4096xf32, #tpu.memory_space<hbm>> -> memref<4096xf32, #tpu.memory_space<hbm>>
        tpu.enqueue_dma source(%dma_start3A_169 : memref<4096xf32, #tpu.memory_space<hbm>>) target(%dma_start3A_167 : memref<4096xf32, #tpu.memory_space<vmem>>) target_semaphore(%arg12 : memref<!tpu.dma_semaphore, #tpu.memory_space<semaphore_mem>>)
      } else {
      }
      %rem3A_133 = arith.constant 4 : i32
      %rem3A_134 = arith.remsi %add3A_101, %rem3A_133 : i32
      %mul3A_135 = arith.constant 4096 : i32
      %mul3A_136 = arith.muli %rem3A_134, %mul3A_135 : i32
      %scan3A_137 = arith.constant 0 : i32
      %scan3A_138 = arith.constant 32 : i32
      %scan3A_139 = arith.addi %scan3A_137, %scan3A_138 : i32
      %scan3A_140 = arith.constant 1 : i32
      %scan3A_141:8 = scf.for %scan3A_148 = %scan3A_137 to %scan3A_139 step %scan3A_140 iter_args(%scan3A_149 = %scan3A_91#0, %scan3A_150 = %scan3A_91#1, %scan3A_151 = %scan3A_91#2, %scan3A_152 = %scan3A_91#3, %scan3A_153 = %scan3A_91#4, %scan3A_154 = %scan3A_91#5, %scan3A_155 = %scan3A_91#6, %scan3A_156 = %scan3A_91#7) -> (vector<16xf32>, vector<16xf32>, vector<16xf32>, vector<16xf32>, vector<16xf32>, vector<16xf32>, vector<16xf32>, vector<16xf32>)  : i32 {
        %mul3A_157 = arith.constant 128 : i32
        %mul3A_158 = arith.muli %scan3A_148, %mul3A_157 : i32
        %add3A_159 = arith.constant 0 : i32
        %add3A_160 = arith.addi %mul3A_158, %add3A_159 : i32
        %add3A_161 = arith.addi %mul3A_136, %add3A_160 : i32
        %get3A = arith.index_cast %add3A_161 : i32 to index
        %get3A_162 = tpu.vector_load %arg6[%get3A] {strides = array<i32>} : memref<16384xi32, #tpu.memory_space<vmem>>, vector<16xi32>,
        %gather3A = tpu.vector_load_idx %arg7[%get3A_162] : memref<100000xf32, #tpu.memory_space<vmem>>[vector<16xi32>], vector<16xf32>,
        %get3A_163 = arith.constant 1 : i32
        %get3A_164 = arith.index_cast %get3A_163 : i32 to index
        %get3A_165 = arith.index_cast %add3A_160 : i32 to index
        %get3A_166 = tpu.vector_load %arg8[%get3A_164, %get3A_165] {strides = array<i32>} : memref<2x4096xf32, #tpu.memory_space<vmem>>, vector<16xf32>,
        %sub3A = arith.subf %get3A_166, %gather3A : vector<16xf32>
        %mul3A_167 = arith.mulf %sub3A, %sub3A : vector<16xf32>
        %add3A_168 = arith.addf %scan3A_149, %mul3A_167 : vector<16xf32>
        %add3A_169 = arith.constant 16 : i32
        %add3A_170 = arith.addi %mul3A_158, %add3A_169 : i32
        %add3A_171 = arith.addi %mul3A_136, %add3A_170 : i32
        %get3A_172 = arith.index_cast %add3A_171 : i32 to index
        %get3A_173 = tpu.vector_load %arg6[%get3A_172] {strides = array<i32>} : memref<16384xi32, #tpu.memory_space<vmem>>, vector<16xi32>,
        %gather3A_174 = tpu.vector_load_idx %arg7[%get3A_173] : memref<100000xf32, #tpu.memory_space<vmem>>[vector<16xi32>], vector<16xf32>,
        %get3A_175 = arith.constant 1 : i32
        %get3A_176 = arith.index_cast %get3A_175 : i32 to index
        %get3A_177 = arith.index_cast %add3A_170 : i32 to index
        %get3A_178 = tpu.vector_load %arg8[%get3A_176, %get3A_177] {strides = array<i32>} : memref<2x4096xf32, #tpu.memory_space<vmem>>, vector<16xf32>,
        %sub3A_179 = arith.subf %get3A_178, %gather3A_174 : vector<16xf32>
        %mul3A_180 = arith.mulf %sub3A_179, %sub3A_179 : vector<16xf32>
        %add3A_181 = arith.addf %scan3A_150, %mul3A_180 : vector<16xf32>
        %add3A_182 = arith.constant 32 : i32
        %add3A_183 = arith.addi %mul3A_158, %add3A_182 : i32
        %add3A_184 = arith.addi %mul3A_136, %add3A_183 : i32
        %get3A_185 = arith.index_cast %add3A_184 : i32 to index
        %get3A_186 = tpu.vector_load %arg6[%get3A_185] {strides = array<i32>} : memref<16384xi32, #tpu.memory_space<vmem>>, vector<16xi32>,
        %gather3A_187 = tpu.vector_load_idx %arg7[%get3A_186] : memref<100000xf32, #tpu.memory_space<vmem>>[vector<16xi32>], vector<16xf32>,
        %get3A_188 = arith.constant 1 : i32
        %get3A_189 = arith.index_cast %get3A_188 : i32 to index
        %get3A_190 = arith.index_cast %add3A_183 : i32 to index
        %get3A_191 = tpu.vector_load %arg8[%get3A_189, %get3A_190] {strides = array<i32>} : memref<2x4096xf32, #tpu.memory_space<vmem>>, vector<16xf32>,
        %sub3A_192 = arith.subf %get3A_191, %gather3A_187 : vector<16xf32>
        %mul3A_193 = arith.mulf %sub3A_192, %sub3A_192 : vector<16xf32>
        %add3A_194 = arith.addf %scan3A_151, %mul3A_193 : vector<16xf32>
        %add3A_195 = arith.constant 48 : i32
        %add3A_196 = arith.addi %mul3A_158, %add3A_195 : i32
        %add3A_197 = arith.addi %mul3A_136, %add3A_196 : i32
        %get3A_198 = arith.index_cast %add3A_197 : i32 to index
        %get3A_199 = tpu.vector_load %arg6[%get3A_198] {strides = array<i32>} : memref<16384xi32, #tpu.memory_space<vmem>>, vector<16xi32>,
        %gather3A_200 = tpu.vector_load_idx %arg7[%get3A_199] : memref<100000xf32, #tpu.memory_space<vmem>>[vector<16xi32>], vector<16xf32>,
        %get3A_201 = arith.constant 1 : i32
        %get3A_202 = arith.index_cast %get3A_201 : i32 to index
        %get3A_203 = arith.index_cast %add3A_196 : i32 to index
        %get3A_204 = tpu.vector_load %arg8[%get3A_202, %get3A_203] {strides = array<i32>} : memref<2x4096xf32, #tpu.memory_space<vmem>>, vector<16xf32>,
        %sub3A_205 = arith.subf %get3A_204, %gather3A_200 : vector<16xf32>
        %mul3A_206 = arith.mulf %sub3A_205, %sub3A_205 : vector<16xf32>
        %add3A_207 = arith.addf %scan3A_152, %mul3A_206 : vector<16xf32>
        %add3A_208 = arith.constant 64 : i32
        %add3A_209 = arith.addi %mul3A_158, %add3A_208 : i32
        %add3A_210 = arith.addi %mul3A_136, %add3A_209 : i32
        %get3A_211 = arith.index_cast %add3A_210 : i32 to index
        %get3A_212 = tpu.vector_load %arg6[%get3A_211] {strides = array<i32>} : memref<16384xi32, #tpu.memory_space<vmem>>, vector<16xi32>,
        %gather3A_213 = tpu.vector_load_idx %arg7[%get3A_212] : memref<100000xf32, #tpu.memory_space<vmem>>[vector<16xi32>], vector<16xf32>,
        %get3A_214 = arith.constant 1 : i32
        %get3A_215 = arith.index_cast %get3A_214 : i32 to index
        %get3A_216 = arith.index_cast %add3A_209 : i32 to index
        %get3A_217 = tpu.vector_load %arg8[%get3A_215, %get3A_216] {strides = array<i32>} : memref<2x4096xf32, #tpu.memory_space<vmem>>, vector<16xf32>,
        %sub3A_218 = arith.subf %get3A_217, %gather3A_213 : vector<16xf32>
        %mul3A_219 = arith.mulf %sub3A_218, %sub3A_218 : vector<16xf32>
        %add3A_220 = arith.addf %scan3A_153, %mul3A_219 : vector<16xf32>
        %add3A_221 = arith.constant 80 : i32
        %add3A_222 = arith.addi %mul3A_158, %add3A_221 : i32
        %add3A_223 = arith.addi %mul3A_136, %add3A_222 : i32
        %get3A_224 = arith.index_cast %add3A_223 : i32 to index
        %get3A_225 = tpu.vector_load %arg6[%get3A_224] {strides = array<i32>} : memref<16384xi32, #tpu.memory_space<vmem>>, vector<16xi32>,
        %gather3A_226 = tpu.vector_load_idx %arg7[%get3A_225] : memref<100000xf32, #tpu.memory_space<vmem>>[vector<16xi32>], vector<16xf32>,
        %get3A_227 = arith.constant 1 : i32
        %get3A_228 = arith.index_cast %get3A_227 : i32 to index
        %get3A_229 = arith.index_cast %add3A_222 : i32 to index
        %get3A_230 = tpu.vector_load %arg8[%get3A_228, %get3A_229] {strides = array<i32>} : memref<2x4096xf32, #tpu.memory_space<vmem>>, vector<16xf32>,
        %sub3A_231 = arith.subf %get3A_230, %gather3A_226 : vector<16xf32>
        %mul3A_232 = arith.mulf %sub3A_231, %sub3A_231 : vector<16xf32>
        %add3A_233 = arith.addf %scan3A_154, %mul3A_232 : vector<16xf32>
        %add3A_234 = arith.constant 96 : i32
        %add3A_235 = arith.addi %mul3A_158, %add3A_234 : i32
        %add3A_236 = arith.addi %mul3A_136, %add3A_235 : i32
        %get3A_237 = arith.index_cast %add3A_236 : i32 to index
        %get3A_238 = tpu.vector_load %arg6[%get3A_237] {strides = array<i32>} : memref<16384xi32, #tpu.memory_space<vmem>>, vector<16xi32>,
        %gather3A_239 = tpu.vector_load_idx %arg7[%get3A_238] : memref<100000xf32, #tpu.memory_space<vmem>>[vector<16xi32>], vector<16xf32>,
        %get3A_240 = arith.constant 1 : i32
        %get3A_241 = arith.index_cast %get3A_240 : i32 to index
        %get3A_242 = arith.index_cast %add3A_235 : i32 to index
        %get3A_243 = tpu.vector_load %arg8[%get3A_241, %get3A_242] {strides = array<i32>} : memref<2x4096xf32, #tpu.memory_space<vmem>>, vector<16xf32>,
        %sub3A_244 = arith.subf %get3A_243, %gather3A_239 : vector<16xf32>
        %mul3A_245 = arith.mulf %sub3A_244, %sub3A_244 : vector<16xf32>
        %add3A_246 = arith.addf %scan3A_155, %mul3A_245 : vector<16xf32>
        %add3A_247 = arith.constant 112 : i32
        %add3A_248 = arith.addi %mul3A_158, %add3A_247 : i32
        %add3A_249 = arith.addi %mul3A_136, %add3A_248 : i32
        %get3A_250 = arith.index_cast %add3A_249 : i32 to index
        %get3A_251 = tpu.vector_load %arg6[%get3A_250] {strides = array<i32>} : memref<16384xi32, #tpu.memory_space<vmem>>, vector<16xi32>,
        %gather3A_252 = tpu.vector_load_idx %arg7[%get3A_251] : memref<100000xf32, #tpu.memory_space<vmem>>[vector<16xi32>], vector<16xf32>,
        %get3A_253 = arith.constant 1 : i32
        %get3A_254 = arith.index_cast %get3A_253 : i32 to index
        %get3A_255 = arith.index_cast %add3A_248 : i32 to index
        %get3A_256 = tpu.vector_load %arg8[%get3A_254, %get3A_255] {strides = array<i32>} : memref<2x4096xf32, #tpu.memory_space<vmem>>, vector<16xf32>,
        %sub3A_257 = arith.subf %get3A_256, %gather3A_252 : vector<16xf32>
        %mul3A_258 = arith.mulf %sub3A_257, %sub3A_257 : vector<16xf32>
        %add3A_259 = arith.addf %scan3A_156, %mul3A_258 : vector<16xf32>
        scf.yield %add3A_168, %add3A_181, %add3A_194, %add3A_207, %add3A_220, %add3A_233, %add3A_246, %add3A_259 : vector<16xf32>, vector<16xf32>, vector<16xf32>, vector<16xf32>, vector<16xf32>, vector<16xf32>, vector<16xf32>, vector<16xf32>
      }
      %scan3A_142 = arith.constant 32 : i32
      %eq3A_143 = arith.constant 3 : i32
      %eq3A_144 = arith.cmpi eq, %add3A_101, %eq3A_143 : i32
      %convert_element_type3A_145 = arith.extui %eq3A_144 : i1 to i32
      %cond3A_146 = arith.constant 0 : i32
      %cond3A_147 = arith.cmpi ne, %convert_element_type3A_145, %cond3A_146 : i32
      scf.if %cond3A_147 {
        %add3A_148 = arith.constant 32 : i32
        %add3A_149 = arith.addi %add3A, %add3A_148 : i32
        %dma_start3A_150 = arith.constant 0 : i32
        %dma_start3A_151 = tpu.memref_slice %arg4[%add3A_149, %dma_start3A_150] : memref<64x100000xf32, #tpu.memory_space<hbm>> -> memref<1x100000xf32, #tpu.memory_space<hbm>>
        %dma_start3A_152 = tpu.memref_squeeze %dma_start3A_151 : memref<1x100000xf32, #tpu.memory_space<hbm>> -> memref<100000xf32, #tpu.memory_space<hbm>>
        %dma_start3A_153 = arith.constant 0 : i32
        %dma_start3A_154 = tpu.memref_slice %arg4[%add3A_149, %dma_start3A_153] : memref<64x100000xf32, #tpu.memory_space<hbm>> -> memref<1x100000xf32, #tpu.memory_space<hbm>>
        %dma_start3A_155 = tpu.memref_squeeze %dma_start3A_154 : memref<1x100000xf32, #tpu.memory_space<hbm>> -> memref<100000xf32, #tpu.memory_space<hbm>>
        tpu.enqueue_dma source(%dma_start3A_155 : memref<100000xf32, #tpu.memory_space<hbm>>) target(%arg7 : memref<100000xf32, #tpu.memory_space<vmem>>) target_semaphore(%arg11 : memref<!tpu.dma_semaphore, #tpu.memory_space<semaphore_mem>>)
      } else {
      }
      scf.yield %scan3A_141#0, %scan3A_141#1, %scan3A_141#2, %scan3A_141#3, %scan3A_141#4, %scan3A_141#5, %scan3A_141#6, %scan3A_141#7 : vector<16xf32>, vector<16xf32>, vector<16xf32>, vector<16xf32>, vector<16xf32>, vector<16xf32>, vector<16xf32>, vector<16xf32>
    }
    %scan3A_30 = arith.constant 4 : i32
    %add3A_31 = arith.addf %scan3A_29#0, %scan3A_29#1 : vector<16xf32>
    %add3A_32 = arith.addf %scan3A_29#2, %scan3A_29#3 : vector<16xf32>
    %add3A_33 = arith.addf %scan3A_29#4, %scan3A_29#5 : vector<16xf32>
    %add3A_34 = arith.addf %scan3A_29#6, %scan3A_29#7 : vector<16xf32>
    %add3A_35 = arith.addf %add3A_31, %add3A_32 : vector<16xf32>
    %add3A_36 = arith.addf %add3A_33, %add3A_34 : vector<16xf32>
    %add3A_37 = arith.addf %add3A_35, %add3A_36 : vector<16xf32>
    %mul3A_38 = arith.constant 2.86102297E-9 : f32
    %mul3A_39 = vector.broadcast %mul3A_38 : f32 to vector<16xf32>
    %mul3A_40 = arith.mulf %add3A_37, %mul3A_39 : vector<16xf32>
    %swap3A = arith.constant 0 : index
    %swap3A_41 = tpu.vector_load %arg9[%swap3A] {strides = array<i32>} : memref<16xf32, #tpu.memory_space<vmem>>, vector<16xf32>,
    tpu.vector_store %arg9[%swap3A], %mul3A_40 {strides = array<i32>} : memref<16xf32, #tpu.memory_space<vmem>>, vector<16xf32>,
    %mul3A_42 = arith.constant 16 : i32
    %mul3A_43 = arith.muli %add3A, %mul3A_42 : i32
    "tpu.region"() ({
      %run_scoped3A = tpu.sem_alloc : memref<!tpu.dma_semaphore, #tpu.memory_space<semaphore_mem>>
      %dma_start3A_44 = tpu.memref_slice %arg5[%mul3A_43] : memref<512xf32, #tpu.memory_space<hbm>> -> memref<16xf32, #tpu.memory_space<hbm>>
      %dma_start3A_45 = tpu.memref_slice %arg5[%mul3A_43] : memref<512xf32, #tpu.memory_space<hbm>> -> memref<16xf32, #tpu.memory_space<hbm>>
      tpu.enqueue_dma source(%arg9 : memref<16xf32, #tpu.memory_space<vmem>>) target(%dma_start3A_45 : memref<16xf32, #tpu.memory_space<hbm>>) target_semaphore(%run_scoped3A : memref<!tpu.dma_semaphore, #tpu.memory_space<semaphore_mem>>)
      %dma_wait3A = tpu.memref_slice %arg5[%mul3A_43] : memref<512xf32, #tpu.memory_space<hbm>> -> memref<16xf32, #tpu.memory_space<hbm>>
      %dma_wait3A_46 = tpu.memref_slice %arg5[%mul3A_43] : memref<512xf32, #tpu.memory_space<hbm>> -> memref<16xf32, #tpu.memory_space<hbm>>
      tpu.wait_dma2 semaphore(%run_scoped3A : memref<!tpu.dma_semaphore, #tpu.memory_space<semaphore_mem>>) src(%arg9 : memref<16xf32, #tpu.memory_space<vmem>>) dst(%dma_wait3A_46 : memref<16xf32, #tpu.memory_space<hbm>>)
      tpu.yield
    }) : () -> ()
    return
  }
}

</mosaic_0001>

<sc_bundles>
// kernel: kernel.3.cloned.1.call-start
scs
__scs_entry_jumppad:
0x0: {  	(pc) =	sbr.rel $0x88, $3  }
0x1: {  	(tag) =	ssettag $0x0;
	lr =	simm.s32 $0x1  }
0x2: {  	[smem:$0x3F9E] =	sst lr;
	_ =	strace $0xD0000000  }
0x3: {  	_ = 	snop  }
0x4: {  	_ = 	snop  }
0x5: {  	_ = 	snop  }
0x6: {  	_ = 	snop  }
0x7: {  	_ = 	snop  }
__scs_overlays_trampoline_lowered:
0x8: {  	[smem:$0x3FAD] =	sst s0  }
0x9: {  	[smem:$0x3FAE] =	sst s1  }
0xa: {  	[smem:$0x3FAF] =	sst s2  }
0xb: {  	[smem:$0x3FB0] =	sst s3  }
0xc: {  	[smem:$0x3FB1] =	sst s4  }
0xd: {  	[smem:$0x3FB2] =	sst s5  }
0xe: {  	[smem:$0x3FB3] =	sst s6  }
0xf: {  	[smem:$0x3FB4] =	sst s7  }
0x10: {  	[smem:$0x3FB5] =	sst s8  }
0x11: {  	[smem:$0x3FB6] =	sst s9;
	s0 =	simm.s32 @!p0 $0x0  }
0x12: {  	s1 =	sld [smem:$0x3F9C];
	s0 =	simm.s32 @p0 $0x1  }
0x13: {  	[smem:$0x3FB7] =	sst s0;
	s0 =	simm.s32 @!p1 $0x0  }
0x14: {  	s2 =	sld [smem:$0x3F9B];
	s0 =	simm.s32 @p1 $0x1  }
0x15: {  	[smem:$0x3FB8] =	sst s0;
	s0 =	simm.s32 @!p2 $0x0  }
0x16: {  	s3 =	sld [smem:$0x3FDB];
	s0 =	simm.s32 @p2 $0x1  }
0x17: {  	s4 =	simm.s32 $0x1BF5;
	[smem:$0x3FBA] =	sst s0  }
0x18: {  	s0 =	sld [smem:$0x3F9D];
	_ =	swait.ge [sflag:s4], $0x0  }
0x19: {  	s7 =	sld [smem:$0x3F9E]  }
0x1a: {  	s8 =	sadd.s32 $0xFFFFE003, lr  }
0x1b: {  	s9 =	sadd.s32 $0xFFFFFEF7, lr;
	s5 =	simm.s32 $0xFFFFFFFF;
	p2 =	slt.u32 s8, $0xFFFFF086  }
0x1c: {  	p1 =	slt.u32 s9, $0xF7A;
	s5 =	simm.s32 @!p2 $0x0  }
0x1d: {  	s5 =	simm.s32 @p1 $0x1;
	p0 =	seq.s32 s7, s2  }
0x1e: {  	s7 =	smul.u32 @!p0 $0xF7A, s2;
	p2 =	seq.s32 @!p0 s5, $0x0  }
0x1f: {  	s9 =	smul.u32 $0xF7A, s1;
	s8 =	simm.s32 @!p0 $0x1BF5;
	p2 =	por !p2, p0  }
0x20: {  	[sflag:s8] =	ssyncset.s32 @!p0 $0xFFFFF086;
	s6 =	sadd.s32 @!p0 s3, s7;
	s7 =	simm.s32 @!p0 $0x108  }
0x21: {  	s3 =	sadd.s32 s3, s9;
	s6 =	sadd.s32 @!p0 $0x88, s6;
	s7 =	simm.s32 @p2 $0x1082  }
0x22: {  	[simem:s7], [sflag:s8] =	dma.local @!p0 [hbm:s6], $0xF7A  }
0x23: {  	s9 =	sor.u32 $0xD0000000, s2;
	s6 =	simm.s32 $0x108;
	_ =	swait.ge @!p0 [sflag:s8], $0x0  }
0x24: {  	s3 =	sadd.s32 $0x88, s3;
	s6 =	simm.s32 @!p1 $0x1082;
	[sflag:s4] =	ssyncset.s32 $0xFFFFF086  }
0x25: {  	[simem:s6], [sflag:s4] =	dma.local [hbm:s3], $0xF7A  }
0x26: {  	[smem:$0x3F9E] =	sst s1;
	(tag) =	ssettag s2;
	_ =	strace s9  }
0x27: {  	s1 =	sld [smem:$0x3FAE]  }
0x28: {  	s2 =	sld [smem:$0x3FAF]  }
0x29: {  	s4 =	sld [smem:$0x3FB1]  }
0x2a: {  	p0 =	seq.s32 s5, $0x0;
	s5 =	sld [smem:$0x3FB2]  }
0x2b: {  	s6 =	sld [smem:$0x3FB3]  }
0x2c: {  	s7 =	sld [smem:$0x3FB4]  }
0x2d: {  	s3 =	simm.s32 $0x108;
	s8 =	sld [smem:$0x3FB5]  }
0x2e: {  	s3 =	simm.s32 @!p0 $0x1082;
	s9 =	sld [smem:$0x3FB6]  }
0x2f: {  	lr =	sadd.s32 s0, s3;
	s0 =	sld [smem:$0x3FAD]  }
0x30: {  	s3 =	sld [smem:$0x3FB0]  }
0x31: {  	[smem:$0x3FB9] =	sst s10  }
0x32: {  	s10 =	sld [smem:$0x3FB7];
	_ =	sdelay $0x3  }
0x33: {  	p0 =	seq.s32 s10, $0x1;
	s10 =	sld [smem:$0x3FB9];
	_ =	sdelay $0x3  }
0x34: {  	[smem:$0x3FB9] =	sst s10  }
0x35: {  	s10 =	sld [smem:$0x3FB8];
	_ =	sdelay $0x3  }
0x36: {  	p1 =	seq.s32 s10, $0x1;
	s10 =	sld [smem:$0x3FB9];
	_ =	sdelay $0x3  }
0x37: {  	[smem:$0x3FB9] =	sst s10  }
0x38: {  	s10 =	sld [smem:$0x3FBA]  }
0x39: {  	_ = 	snop;
	(pc) =	sbr.ind lr, $3  }
0x3a: {  	_ = 	snop  }
0x3b: {  	_ = 	snop  }
0x3c: {  	p2 =	seq.s32 s10, $0x1;
	s10 =	sld [smem:$0x3FB9]  }
0x3d: {  	_ =	shalt  }
0x3e: {  	_ =	shalt  }
0x3f: {  	_ =	shalt  }
0x40: {  	_ =	shalt  }
0x41: {  	_ =	shalt  }
0x42: {  	_ =	shalt  }
0x43: {  	_ =	shalt  }
0x44: {  	_ =	shalt  }
0x45: {  	_ =	shalt  }
0x46: {  	_ =	shalt  }
0x47: {  	_ =	shalt  }
0x48: {  	_ =	shalt  }
0x49: {  	_ =	shalt  }
0x4a: {  	_ =	shalt  }
0x4b: {  	_ =	shalt  }
0x4c: {  	_ =	shalt  }
0x4d: {  	_ =	shalt  }
0x4e: {  	_ =	shalt  }
0x4f: {  	_ =	shalt  }
0x50: {  	_ =	shalt  }
0x51: {  	_ =	shalt  }
0x52: {  	_ =	shalt  }
0x53: {  	_ =	shalt  }
0x54: {  	_ =	shalt  }
0x55: {  	_ =	shalt  }
0x56: {  	_ =	shalt  }
0x57: {  	_ =	shalt  }
0x58: {  	_ =	shalt  }
0x59: {  	_ =	shalt  }
0x5a: {  	_ =	shalt  }
0x5b: {  	_ =	shalt  }
0x5c: {  	_ =	shalt  }
0x5d: {  	_ =	shalt  }
0x5e: {  	_ =	shalt  }
0x5f: {  	_ =	shalt  }
0x60: {  	_ =	shalt  }
0x61: {  	_ =	shalt  }
0x62: {  	_ =	shalt  }
0x63: {  	_ =	shalt  }
0x64: {  	_ =	shalt  }
0x65: {  	_ =	shalt  }
0x66: {  	_ =	shalt  }
0x67: {  	_ =	shalt  }
0x68: {  	_ =	shalt  }
0x69: {  	_ =	shalt  }
0x6a: {  	_ =	shalt  }
0x6b: {  	_ =	shalt  }
0x6c: {  	_ =	shalt  }
0x6d: {  	_ =	shalt  }
0x6e: {  	_ =	shalt  }
0x6f: {  	_ =	shalt  }
0x70: {  	_ =	shalt  }
0x71: {  	_ =	shalt  }
0x72: {  	_ =	shalt  }
0x73: {  	_ =	shalt  }
0x74: {  	_ =	shalt  }
0x75: {  	_ =	shalt  }
0x76: {  	_ =	shalt  }
0x77: {  	_ =	shalt  }
0x78: {  	_ =	shalt  }
0x79: {  	_ =	shalt  }
0x7a: {  	_ =	shalt  }
0x7b: {  	_ =	shalt  }
0x7c: {  	_ =	shalt  }
0x7d: {  	_ =	shalt  }
0x7e: {  	_ =	shalt  }
0x7f: {  	_ =	shalt  }
0x80: {  	_ =	shalt  }
0x81: {  	_ =	shalt  }
0x82: {  	_ =	shalt  }
0x83: {  	_ =	shalt  }
0x84: {  	_ =	shalt  }
0x85: {  	_ =	shalt  }
0x86: {  	_ =	shalt  }
0x87: {  	_ =	shalt  }
.Lfunc_end0:
.L_simem_size_0:
called_computation_lowered:
.L_overlay_start_0:
0x88: {  	s2 =	sld [smem:$0x3FD9]  }
0x89: {  	s3 =	sld [smem:$0x3FFE];
	_ =	sdelay $0x1  }
0x8a: {  	s1 =	srdreg.scid  }
0x8b: {  	s0 =	sand.u32 $0x1, s1  }
0x8c: {  	s17 =	sshll.u32 s0, $0xA;
	s2 =	sadd.s32 s3, s2  }
0x8d: {  	s2 =	sadd.s32 s2, s17  }
0x8e: {  	[smem:$0x3FC5] =	sst s2  }
0x8f: {  	_ = 	snop  }
0x90: {  	s2 =	sld [smem:$0x3FC9]  }
0x91: {  	s18 =	sld [smem:$0x3FC8]  }
0x92: {  	s4 =	sld [smem:$0x3FC7];
	(tm) =	ssettm $0x1  }
0x93: {  	s5 =	sld [smem:$0x3FFB];
	_ =	sdelay $0x3  }
0x94: {  	_ =	strace s5  }
0x95: {  	s5 =	sld [smem:$0x3FFC];
	_ =	sdelay $0x3  }
0x96: {  	_ =	strace s5  }
0x97: {  	s5 =	sld [smem:$0x3FFD];
	_ =	sdelay $0x3  }
0x98: {  	_ =	strace s5  }
0x99: {  	_ =	strace $0x8FFFFFFF  }
0x9a: {  	s19 =	sld [smem:$0x3FDB];
	_ =	sdelay $0x1  }
0x9b: {  	s6 =	simm.s32 $_scs_section_size  }
0x9c: {  	s7 =	simm.s32 $_size__tile_overlayer_lowered;
	s8 =	simm.s32 $_tile_overlayer_lowered  }
0x9d: {  	s22 =	simm.s32 $0x1BFF;
	s21 =	sshll.u32 s8, $0x1;
	s5 =	sadd.s32 s6, s19  }
0x9e: {  	s9 =	simm.s32 $0x0;
	s20 =	sshll.u32 s7, $0x1;
	s7 =	sadd.s32 s21, s5  }
0x9f: {  	[timem:s9], [sflag:s22] =	dma.local [hbm:s7], s20  }
0xa0: {  	_ =	swait.ge [sflag:s22], s20  }
0xa1: {  	s6 =	ssub.s32 $0x0, s20;
	[sflag:s22] =	ssyncset.done $0x0  }
0xa2: {  	[sflag:s22] =	ssyncadd.s32 s6;
	_ =	sdelay $0x1  }
0xa3: {  	s23 =	simm.s32 $0x1B8B  }
0xa4: {  	_ =	swait.ge [sflag:s23], $0x1  }
0xa5: {  	[sflag:s23] =	ssyncset.done $0x0  }
0xa6: {  	s25 =	simm.s32 $0x1B8E;
	s24 =	sld [smem:$0x3FFE];
	[sflag:s23] =	ssyncadd.s32 $0xFFFFFFFF  }
0xa7: {  	s26 =	simm.s32 $execute0_lowered;
	[smem:$0x3FD2] =	sst s25  }
0xa8: {  	s7 =	sshll.u32 s26, $0x1;
	_ =	strace $0x80000046;
	[dreg:$0x1] =	wrdreg $0xFFFFFFFF  }
0xa9: {  	s28 =	simm.s32 $_size_execute0_lowered;
	s5 =	sadd.s32 s5, s7;
	[dreg:$0x0] =	wrdreg $0x0  }
0xaa: {  	s7 =	sshll.u32 s28, $0x1;
	[dreg:$0x2] =	wrdreg s5  }
0xab: {  	[dreg:$0x3] =	wrdreg s7  }
0xac: {  	[dreg:$0x4] =	wrdreg $0xC0  }
0xad: {  	_ =	task [dreg:s9], $0x5FFFF  }
0xae: {  	[dreg:$0x1] =	wrdreg $0xFFFFFFFF  }
0xaf: {  	[dreg:$0x0] =	wrdreg $0x60  }
0xb0: {  	[dreg:$0x2] =	wrdreg s2  }
0xb1: {  	[dreg:$0x3] =	wrdreg s18  }
0xb2: {  	[dreg:$0x4] =	wrdreg s4  }
0xb3: {  	[dreg:$0x5] =	wrdreg s24  }
0xb4: {  	[dreg:$0x6] =	wrdreg $0x9  }
0xb5: {  	_ =	task.clear_ibuf [dreg:s9], $0x7FFFF;
	_ =	strace $0x90000046  }
0xb6: {  	s29 =	simm.s32 $0x9;
	_ =	strace $0x80000048  }
0xb7: {  	_ =	swait.ge [sflag:s29], $0x1  }
0xb8: {  	[sflag:s29] =	ssyncadd.s32 $0xFFFFFFFF  }
0xb9: {  	_ =	strace $0x90000048  }
0xba: {  	_ =	sfence  }
0xbb: {  	s30 =	sld [smem:$0x0];
	_ =	sdelay $0x2  }
0xbc: {  	s31 =	sshll.u32 s1, $0xD;
	s1 =	sshrl.u32 s1, $0x2  }
0xbd: {  	s3 =	sand.u32 $0x4000, s31;
	s1 =	sadd.s32 s1, s30  }
0xbe: {  	s0 =	sor.u32 s3, s0;
	s1 =	sshll.u32 s1, $0x11  }
0xbf: {  	s0 =	sor.u32 s1, s0  }
0xc0: {  	s0 =	sadd.s32 $0x8F2B, s0  }
0xc1: {  	[sflag:s0] =	ssyncadd.remote.s32 $0x1  }
0xc2: {  	_ =	sfence.sel $0xFFFF  }
0xc3: {  	[dreg:$0x0] =	wrdreg $0xFFFFFFFF;
	(pc) =	sbr.abs _section_cstart, $3  }
0xc4: {  	[dreg:$0x1] =	wrdreg $0xFFFFFFFF  }
0xc5: {  	_ =	task.clear_ibuf [dreg:s9], $0x2FFFF;
	_ =	strace $0x9FFFFFFF  }
0xc6: {  	(tm) =	ssettm $0x7FFFFFFF  }
0xc7: {  	_ =	shalt  }
tec
execute0_lowered:
.L_overlay_start_1:
0x0: {  	(tag) =	ssettag $0x1  }
0x1: {  	s1 =	rddreg [dreg:$0x0]  }
0x2: {  	s3 =	rddreg [dreg:$0x1]  }
0x3: {  	s11 =	rddreg [dreg:$0x2]  }
0x4: {  	s12 =	rddreg [dreg:$0x3];
	s4 =	srdreg.scid  }
0x5: {  	s2 =	stileid.u32;
	s5 =	simm.s32 $0x0;
	s16 =	simm.s32 $0x4000  }
0x6: {  	s17 =	simm.s32 $0x1;
	s18 =	simm.s32 $0x3;
	s19 =	simm.s32 $0x4  }
0x7: {  	s20 =	simm.s32 $0x1E700;
	s21 =	simm.s32 $0x5;
	s22 =	simm.s32 $0x0  }
0x8: {  	s7 =	sand.u32 $0x1, s4;
	s4 =	sshll.u32 s2, $0x1;
	s8 =	sshrl.u32 s2, $0x2  }
0x9: {  	[smem:$0x7FF] =	sst s5;
	s6 =	sor.u32 s7, s4;
	s9 =	smul.u32 $0xC3800, s8  }
0xa: {  	_ =	strace $0x80000047;
	s7 =	ssub.s32 $0x2, s7;
	s8 =	sshll.u32 s8, $0x11  }
0xb: {  	s10 =	sshll.u32 s6, $0x7;
	s13 =	sshrl.u32 s7, $0x1;
	s31 =	sshll.u32 s6, $0x4  }
0xc: {  	s15 =	sshll.u32 s6, $0x1;
	s10 =	sand.u32 $0x380, s10;
	s13 =	ssub.s32 s7, s13  }
0xd: {  	s12 =	sadd.s32 s12, s15;
	s15 =	simm.s32 $0x400;
	s14 =	sor.u32 s9, s10  }
0xe: {  	s8 =	sor.u32 s8, s10;
	s9 =	sand.u32 $0x70, s31;
	s10 =	sor.u32 $0x20, s6  }
0xf: {  	s13 =	smax.u32 s13, $0x1;
	s30 =	sshrl.u32 s14, $0x3;
	s14 =	sadd.s32 $0x30E000, s14  }
0x10: {  	s8 =	sshrl.u32 s8, $0x3;
	s7 =	sadd.s32 s11, s30;
	s14 =	sshrl.u32 s14, $0x3  }
0x11: {  	s8 =	sadd.s32 s1, s8;
	s11 =	sadd.s32 s11, s14;
	s14 =	simm.s32 $0x80  }
.LBB2_1:
0x12: {  	[tilespmem:s5], [sflag:$0x1] =	stream.linear.gather [hbm4b:s3+s5], $0x4000, $0x38;
	[tilespmem:$0x1E780] =	vst v63  }
0x13: {  	_ = 	snop  }
0x14: {  	[tilespmem:s16], [sflag:$0x2] =	stream.strided.gather [hbm4b:s7+s14], $0x18700, s15, s14, $0x38;
	[tilespmem:$0x1E780] =	vst v63  }
0x15: {  	_ =	swait.ge [sflag:s17], $0x4000  }
0x16: {  	[sflag:s17] =	ssyncset.done $0x0  }
0x17: {  	s24 =	simm.s32 $0x1C700;
	s25 =	simm.s32 $0x0;
	[sflag:s17] =	ssyncadd.s32 $0xFFFFC000  }
.LBB2_2:
0x18: {  	p0 =	sne.s32 s25, $0xF80  }
.Ltmp0:
0x19: {  	_ = 	snop;
	(pc) =	sbr.rel @p0 .LBB2_2-.Ltmp0, $4  }
0x1a: {  	_ = 	snop  }
0x1b: {  	s26 =	sadd.s32 s25, s8;
	s23 =	simm.s32 $0x0  }
0x1c: {  	[tilespmem:s24], [sflag:$0x3] =	stream.linear.gather [hbm4b:s26+s23], $0x80, $0x38;
	[tilespmem:$0x1E780] =	vst v63  }
0x1d: {  	s25 =	sadd.s32 $0x80, s25;
	s24 =	sadd.s32 $0x100, s24  }
0x1e: {  	v7 =	vimm.f32 $0.0e+00;
	v0 =	vimm.f32 $0.0e+00  }
0x1f: {  	v1 =	vimm.f32 $0.0e+00;
	v2 =	vimm.f32 $0.0e+00;
	v3 =	vimm.f32 $0.0e+00  }
0x20: {  	p0 =	por $0x0, $0x0;
	v5 =	vimm.f32 $0.0e+00;
	v6 =	vimm.f32 $0.0e+00;
	v4 =	vimm.f32 $0.0e+00  }
.LBB2_4:
0x21: {  	s24 =	sor.u32 $0x2, s23  }
0x22: {  	s26 =	sshll.u32 s23, $0x4;
	p1 =	seq.s32 s24, $0x2  }
0x23: {  	s24 =	sand.u32 $0x20, s26;
	s25 =	simm.s32 @p1 $0x2  }
0x24: {  	s31 =	simm.s32 $0x1;
	s24 =	sor.u32 s4, s24;
	_ =	swait.ge @p1 [sflag:s25], $0x18700  }
0x25: {  	s26 =	sshll.u32 s23, $0xD;
	s24 =	sshll.u32 s24, $0xB;
	[sflag:s25] =	ssyncset.done @p1 $0x0  }
0x26: {  	s24 =	sand.u32 $0x1C000, s24;
	[sflag:s25] =	ssyncadd.s32 @p1 $0xFFFE7900;
	s25 =	sand.u32 $0x2000, s26  }
0x27: {  	s29 =	simm.s32 $0x1C780;
	s24 =	sor.u32 s24, s9;
	s26 =	sadd.s32 s25, s1  }
0x28: {  	s30 =	simm.s32 $0x0;
	_ =	swait.ge [sflag:s18], $0x1000;
	s24 =	sadd.s32 s24, s26  }
0x29: {  	s31 =	simm.s32 @!p0 $0x0;
	[sflag:s18] =	ssyncset.done $0x0;
	s28 =	sadd.s32 $0x1000, s24  }
0x2a: {  	s0 =	sshll.u32 s31, $0xD;
	[sflag:s18] =	ssyncadd.s32 $0xFFFFF000;
	s24 =	sadd.s32 $0x0, s28  }
0x2b: {  	[tilespmem:s29], [sflag:$0x4] =	stream.linear.gather [hbm4b:s24+s30], $0x80, $0x38;
	[tilespmem:$0x1E780] =	vst v63  }
0x2c: {  	s31 =	simm.s32 $0x80;
	s26 =	sor.u32 $0x40, s0;
	s24 =	sor.u32 $0x1000, s0  }
.LBB2_5:
0x2d: {  	p1 =	sne.s32 s31, $0xF80  }
.Ltmp1:
0x2e: {  	_ = 	snop;
	(pc) =	sbr.rel @p1 .LBB2_5-.Ltmp1, $4  }
0x2f: {  	_ = 	snop  }
0x30: {  	s0 =	sadd.s32 s31, s28;
	s29 =	sadd.s32 $0x100, s29  }
0x31: {  	s31 =	sadd.s32 $0x80, s31  }
0x32: {  	[tilespmem:s29], [sflag:$0x4] =	stream.linear.gather [hbm4b:s0+s30], $0x80, $0x38;
	[tilespmem:$0x1E780] =	vst v63  }
0x33: {  	v8 =	vld [tilespmem:s26+$0x30]  }
0x34: {  	v9 =	vld [tilespmem:s26+$0xFFFFFFD0]  }
0x35: {  	v10 =	vld [tilespmem:s26+$0xFFFFFFE0]  }
0x36: {  	v11 =	vld [tilespmem:s26+$0xFFFFFFF0]  }
0x37: {  	v12 =	vld [tilespmem:s26+$0x0]  }
0x38: {  	v13 =	vld [tilespmem:s26+$0x10]  }
0x39: {  	v14 =	vld [tilespmem:s26+$0x20]  }
0x3a: {  	v15 =	vld [tilespmem:s26+$0xFFFFFFC0];
	s0 =	simm.s32 $0x0  }
0x3b: {  	v17 =	vld [tilespmem:s0+$0x1C770]  }
0x3c: {  	v19 =	vld [tilespmem:s0+$0x1C710]  }
0x3d: {  	v21 =	vld [tilespmem:s0+$0x1C720]  }
0x3e: {  	v16 =	vld.idx.msk [tilespmem:v8+s16+$0x0], $0xffff  }
0x3f: {  	v18 =	vld.idx.msk [tilespmem:v9+s16+$0x0], $0xffff  }
0x40: {  	v20 =	vld.idx.msk [tilespmem:v10+s16+$0x0], $0xffff  }
0x41: {  	v10 =	vld.idx.msk [tilespmem:v12+s16+$0x0], $0xffff  }
0x42: {  	v8 =	vld.idx.msk [tilespmem:v13+s16+$0x0], $0xffff  }
0x43: {  	v12 =	vld.idx.msk [tilespmem:v15+s16+$0x0], $0xffff  }
0x44: {  	v13 =	vld [tilespmem:s0+$0x1C700]  }
0x45: {  	v11 =	vld.idx.msk [tilespmem:v11+s16+$0x0], $0xffff  }
0x46: {  	v9 =	vld.idx.msk [tilespmem:v14+s16+$0x0], $0xffff;
	v14 =	vsub.f32 v17, v16  }
0x47: {  	v15 =	vld [tilespmem:s0+$0x1C730]  }
0x48: {  	v16 =	vmul.f32 v14, v14;
	v14 =	vld [tilespmem:s0+$0x1C740]  }
0x49: {  	v22 =	vsub.f32 v13, v12;
	v13 =	vld [tilespmem:s0+$0x1C750]  }
0x4a: {  	s26 =	sadd.s32 $0x80, s26;
	v12 =	vld [tilespmem:s0+$0x1C760];
	v17 =	vsub.f32 v19, v18  }
0x4b: {  	s28 =	simm.s32 $0x400;
	s29 =	simm.s32 $0x800;
	v18 =	vsub.f32 v21, v20;
	v19 =	vmul.f32 v22, v22;
	v7 =	vadd.f32 v16, v7;
	v16 =	vld [tilespmem:s26+$0x30]  }
.LBB2_7:
0x4c: {  	p1 =	sne.s32 s29, $0x7C00;
	v20 =	vld [tilespmem:s26+$0xFFFFFFD0];
	v17 =	vmul.f32 v17, v17;
	v11 =	vsub.f32 v15, v11  }
0x4d: {  	v15 =	vld [tilespmem:s26+$0xFFFFFFE0];
	v4 =	vadd.f32 v19, v4;
	v18 =	vmul.f32 v18, v18;
	v10 =	vsub.f32 v14, v10  }
0x4e: {  	v14 =	vld [tilespmem:s26+$0xFFFFFFF0];
	v6 =	vadd.f32 v17, v6;
	v11 =	vmul.f32 v11, v11;
	v8 =	vsub.f32 v13, v8  }
0x4f: {  	v13 =	vld [tilespmem:s26+$0x0];
	v5 =	vadd.f32 v18, v5;
	v10 =	vmul.f32 v10, v10;
	v9 =	vsub.f32 v12, v9  }
0x50: {  	v12 =	vld [tilespmem:s26+$0x10];
	v3 =	vadd.f32 v11, v3;
	v8 =	vmul.f32 v8, v8  }
0x51: {  	v17 =	vld [tilespmem:s26+$0x20];
	v2 =	vadd.f32 v10, v2;
	v9 =	vmul.f32 v9, v9  }
0x52: {  	v18 =	vld [tilespmem:s26+$0xFFFFFFC0];
	v1 =	vadd.f32 v8, v1  }
0x53: {  	s0 =	sshra.s32 s28, $0x2;
	s28 =	smov.u32 s29;
	v16 =	vld.idx.msk [tilespmem:v16+s16+$0x0], $0xffff;
	v0 =	vadd.f32 v9, v0  }
0x54: {  	v9 =	vld [tilespmem:s0+$0x1C770]  }
0x55: {  	v19 =	vld.idx.msk [tilespmem:v20+s16+$0x0], $0xffff  }
0x56: {  	v20 =	vld.idx.msk [tilespmem:v15+s16+$0x0], $0xffff  }
0x57: {  	v11 =	vld.idx.msk [tilespmem:v14+s16+$0x0], $0xffff  }
0x58: {  	v10 =	vld.idx.msk [tilespmem:v13+s16+$0x0], $0xffff  }
0x59: {  	v8 =	vld.idx.msk [tilespmem:v12+s16+$0x0], $0xffff;
	v12 =	vsub.f32 v9, v16  }
0x5a: {  	v13 =	vld.idx.msk [tilespmem:v18+s16+$0x0], $0xffff  }
0x5b: {  	v9 =	vld.idx.msk [tilespmem:v17+s16+$0x0], $0xffff;
	v12 =	vmul.f32 v12, v12  }
0x5c: {  	v16 =	vld [tilespmem:s0+$0x1C700]  }
0x5d: {  	v17 =	vld [tilespmem:s0+$0x1C710];
	v7 =	vadd.f32 v12, v7  }
0x5e: {  	v18 =	vld [tilespmem:s0+$0x1C720]  }
.Ltmp2:
0x5f: {  	v15 =	vld [tilespmem:s0+$0x1C730];
	(pc) =	sbr.rel @p1 .LBB2_7-.Ltmp2, $4  }
0x60: {  	v14 =	vld [tilespmem:s0+$0x1C740]  }
0x61: {  	v21 =	vsub.f32 v16, v13;
	v13 =	vld [tilespmem:s0+$0x1C750]  }
0x62: {  	s26 =	sadd.s32 $0x80, s26;
	v17 =	vsub.f32 v17, v19;
	v12 =	vld [tilespmem:s0+$0x1C760]  }
0x63: {  	s29 =	sadd.s32 $0x400, s29;
	v16 =	vld [tilespmem:s26+$0x30];
	v19 =	vmul.f32 v21, v21;
	v18 =	vsub.f32 v18, v20  }
0x64: {  	v20 =	vld [tilespmem:s26+$0xFFFFFFD0]  }
0x65: {  	v21 =	vld [tilespmem:s26+$0xFFFFFFE0]  }
0x66: {  	v22 =	vld [tilespmem:s26+$0xFFFFFFF0]  }
0x67: {  	v23 =	vld [tilespmem:s26+$0x0]  }
0x68: {  	v24 =	vld [tilespmem:s26+$0x10]  }
0x69: {  	v25 =	vld [tilespmem:s26+$0x20]  }
0x6a: {  	v26 =	vld [tilespmem:s26+$0xFFFFFFC0];
	s0 =	sshra.s32 s28, $0x2  }
0x6b: {  	v27 =	vld [tilespmem:s0+$0x1C770]  }
0x6c: {  	v28 =	vld [tilespmem:s0+$0x1C700]  }
0x6d: {  	v51 =	vld [tilespmem:s0+$0x1C710]  }
0x6e: {  	v53 =	vld [tilespmem:s0+$0x1C720]  }
0x6f: {  	v54 =	vld [tilespmem:s0+$0x1C730]  }
0x70: {  	v57 =	vld [tilespmem:s0+$0x1C740]  }
0x71: {  	v58 =	vld [tilespmem:s0+$0x1C750]  }
0x72: {  	v60 =	vld [tilespmem:s0+$0x1C760]  }
0x73: {  	v16 =	vld.idx.msk [tilespmem:v16+s16+$0x0], $0xffff  }
0x74: {  	v11 =	vsub.f32 v15, v11;
	v20 =	vld.idx.msk [tilespmem:v20+s16+$0x0], $0xffff  }
0x75: {  	v10 =	vsub.f32 v14, v10;
	v52 =	vmul.f32 v18, v18;
	v21 =	vld.idx.msk [tilespmem:v21+s16+$0x0], $0xffff  }
0x76: {  	v17 =	vmul.f32 v17, v17;
	v8 =	vsub.f32 v13, v8;
	v11 =	vmul.f32 v11, v11;
	v26 =	vld.idx.msk [tilespmem:v26+s16+$0x0], $0xffff  }
0x77: {  	v9 =	vsub.f32 v12, v9;
	v55 =	vadd.f32 v52, v5;
	v5 =	vmul.f32 v10, v10;
	v22 =	vld.idx.msk [tilespmem:v22+s16+$0x0], $0xffff  }
0x78: {  	v11 =	vadd.f32 v11, v3;
	v3 =	vmul.f32 v8, v8;
	v24 =	vld.idx.msk [tilespmem:v24+s16+$0x0], $0xffff;
	v56 =	vsub.f32 v27, v16  }
0x79: {  	v4 =	vadd.f32 v19, v4;
	v6 =	vadd.f32 v17, v6;
	v8 =	vmul.f32 v9, v9;
	v25 =	vld.idx.msk [tilespmem:v25+s16+$0x0], $0xffff  }
0x7a: {  	v2 =	vadd.f32 v5, v2;
	v1 =	vadd.f32 v3, v1;
	v23 =	vld.idx.msk [tilespmem:v23+s16+$0x0], $0xffff;
	v5 =	vmul.f32 v56, v56  }
0x7b: {  	v8 =	vadd.f32 v8, v0;
	v59 =	vsub.f32 v28, v26  }
0x7c: {  	v7 =	vadd.f32 v5, v7;
	v0 =	vsub.f32 v51, v20  }
0x7d: {  	v61 =	vsub.f32 v53, v21;
	v12 =	vsub.f32 v54, v22;
	v3 =	vmul.f32 v59, v59  }
0x7e: {  	p1 =	seq.s32 s23, $0x3;
	v9 =	vsub.f32 v58, v24;
	v62 =	vsub.f32 v60, v25;
	v0 =	vmul.f32 v0, v0  }
.Ltmp3:
0x7f: {  	v5 =	vadd.f32 v3, v4;
	v3 =	vsub.f32 v57, v23;
	v4 =	vmul.f32 v61, v61;
	(pc) =	sbr.rel @p1 .LBB2_12-.Ltmp3, $4  }
0x80: {  	v9 =	vmul.f32 v9, v9;
	v6 =	vadd.f32 v0, v6;
	v0 =	vmul.f32 v12, v12  }
0x81: {  	_ =	swait.ge [sflag:s19], $0x1000;
	v10 =	vmul.f32 v62, v62;
	v63 =	vmul.f32 v3, v3;
	v3 =	vadd.f32 v4, v55  }
0x82: {  	[sflag:s19] =	ssyncset.done $0x0;
	v4 =	vadd.f32 v0, v11;
	v0 =	vadd.f32 v9, v1  }
0x83: {  	[sflag:s19] =	ssyncadd.s32 $0xFFFFF000;
	v1 =	vadd.f32 v10, v8;
	v2 =	vadd.f32 v63, v2  }
0x84: {  	p1 =	seq.s32 s23, $0x0;
	s0 =	smov.u32 s10  }
0x85: {  	s0 =	smov.u32 @p1 s6  }
0x86: {  	s26 =	sshll.u32 s0, $0x4;
	s0 =	sshll.u32 s0, $0xB  }
0x87: {  	s0 =	sor.u32 s0, s26  }
0x88: {  	s0 =	sand.u32 $0x1C070, s0  }
0x89: {  	s0 =	sor.u32 s25, s0  }
0x8a: {  	s0 =	sxor.u32 $0x2000, s0  }
0x8b: {  	s28 =	simm.s32 $0x80;
	s25 =	sadd.s32 s1, s0  }
0x8c: {  	s29 =	simm.s32 $0x1C800;
	s26 =	simm.s32 $0x1C700;
	s30 =	sadd.s32 $0x0, s25  }
.LBB2_10:
0x8d: {  	[tilespmem:s26], [sflag:$0x3] =	stream.linear.gather [hbm4b:s30+s5], $0x80, $0x38;
	[tilespmem:$0x1E780] =	vst v63  }
0x8e: {  	s0 =	smov.u32 s28;
	s26 =	smov.u32 s29;
	p1 =	sne.s32 s28, $0xF80  }
.Ltmp4:
0x8f: {  	s28 =	sadd.s32 $0x80, s28;
	(pc) =	sbr.rel @p1 .LBB2_10-.Ltmp4, $2  }
0x90: {  	_ =	sdelay $0x2  }
0x91: {  	s29 =	sadd.s32 $0x100, s29;
	s30 =	sadd.s32 s0, s25  }
0x92: {  	[tilespmem:s26], [sflag:$0x3] =	stream.linear.gather [hbm4b:s30+s5], $0x80, $0x38;
	[tilespmem:$0x1E780] =	vst v63  }
.LBB2_12:
0x93: {  	v8 =	vmov s24;
	_ =	sdelay $0x1  }
0x94: {  	s24 =	simm.s32 $0x1C7F0  }
0x95: {  	v19 =	vld [tilespmem:s24+$0x0]  }
0x96: {  	s0 =	simm.s32 $0x0;
	v22 =	vld [tilespmem:s24+$0xFFFFFFA0]  }
0x97: {  	v9 =	vld.idx.msk [tilespmem:v8+s0+$0x70 ss:$0x1], $0xffff  }
0x98: {  	v10 =	vld.idx.msk [tilespmem:v8+s0+$0x0 ss:$0x1], $0xffff  }
0x99: {  	v11 =	vld.idx.msk [tilespmem:v8+s0+$0x10 ss:$0x1], $0xffff  }
0x9a: {  	v12 =	vld.idx.msk [tilespmem:v8+s0+$0x20 ss:$0x1], $0xffff  }
0x9b: {  	v14 =	vld.idx.msk [tilespmem:v8+s0+$0x30 ss:$0x1], $0xffff  }
0x9c: {  	v15 =	vld.idx.msk [tilespmem:v8+s0+$0x40 ss:$0x1], $0xffff  }
0x9d: {  	v16 =	vld.idx.msk [tilespmem:v8+s0+$0x50 ss:$0x1], $0xffff  }
0x9e: {  	v17 =	vld.idx.msk [tilespmem:v8+s0+$0x60 ss:$0x1], $0xffff  }
0x9f: {  	v18 =	vld.idx.msk [tilespmem:v9+s16+$0x0], $0xffff  }
0xa0: {  	v20 =	vld.idx.msk [tilespmem:v10+s16+$0x0], $0xffff  }
0xa1: {  	v21 =	vld.idx.msk [tilespmem:v11+s16+$0x0], $0xffff  }
0xa2: {  	v13 =	vld.idx.msk [tilespmem:v12+s16+$0x0], $0xffff  }
0xa3: {  	v12 =	vld.idx.msk [tilespmem:v14+s16+$0x0], $0xffff  }
0xa4: {  	v11 =	vld.idx.msk [tilespmem:v15+s16+$0x0], $0xffff  }
0xa5: {  	v10 =	vld.idx.msk [tilespmem:v16+s16+$0x0], $0xffff  }
0xa6: {  	v15 =	vld [tilespmem:s24+$0xFFFFFF90]  }
0xa7: {  	v9 =	vld.idx.msk [tilespmem:v17+s16+$0x0], $0xffff;
	v14 =	vsub.f32 v19, v18  }
0xa8: {  	v18 =	vld [tilespmem:s24+$0xFFFFFFB0]  }
0xa9: {  	v17 =	vld [tilespmem:s24+$0xFFFFFFC0];
	v14 =	vmul.f32 v14, v14  }
0xaa: {  	v16 =	vld [tilespmem:s24+$0xFFFFFFD0]  }
0xab: {  	v19 =	vsub.f32 v15, v20;
	v7 =	vadd.f32 v14, v7;
	v14 =	vld [tilespmem:s24+$0xFFFFFFE0]  }
0xac: {  	s26 =	simm.s32 $0x80;
	s25 =	simm.s32 $0x400;
	v20 =	vsub.f32 v22, v21;
	v15 =	vld [tilespmem:s24+$0xFFFFFFF0]  }
.LBB2_13:
0xad: {  	p1 =	sne.s32 s25, $0x3E00;
	v21 =	vld.idx.msk [tilespmem:v8+s26+$0x70 ss:$0x1], $0xffff;
	v19 =	vmul.f32 v19, v19;
	v13 =	vsub.f32 v18, v13  }
0xae: {  	v18 =	vld.idx.msk [tilespmem:v8+s26+$0x0 ss:$0x1], $0xffff;
	v20 =	vmul.f32 v20, v20;
	v12 =	vsub.f32 v17, v12  }
0xaf: {  	v17 =	vld.idx.msk [tilespmem:v8+s26+$0x10 ss:$0x1], $0xffff;
	v5 =	vadd.f32 v19, v5;
	v13 =	vmul.f32 v13, v13;
	v11 =	vsub.f32 v16, v11  }
0xb0: {  	v16 =	vld.idx.msk [tilespmem:v8+s26+$0x20 ss:$0x1], $0xffff;
	v6 =	vadd.f32 v20, v6;
	v12 =	vmul.f32 v12, v12;
	v10 =	vsub.f32 v14, v10  }
0xb1: {  	v14 =	vld.idx.msk [tilespmem:v8+s26+$0x30 ss:$0x1], $0xffff;
	v3 =	vadd.f32 v13, v3;
	v11 =	vmul.f32 v11, v11;
	v9 =	vsub.f32 v15, v9  }
0xb2: {  	v15 =	vld.idx.msk [tilespmem:v8+s26+$0x40 ss:$0x1], $0xffff;
	v4 =	vadd.f32 v12, v4;
	v10 =	vmul.f32 v10, v10  }
0xb3: {  	v19 =	vld.idx.msk [tilespmem:v8+s26+$0x50 ss:$0x1], $0xffff;
	v2 =	vadd.f32 v11, v2;
	v9 =	vmul.f32 v9, v9  }
0xb4: {  	v20 =	vld.idx.msk [tilespmem:v8+s26+$0x60 ss:$0x1], $0xffff;
	v0 =	vadd.f32 v10, v0  }
0xb5: {  	s24 =	sadd.s32 $0x100, s24;
	v10 =	vld.idx.msk [tilespmem:v21+s16+$0x0], $0xffff;
	v1 =	vadd.f32 v9, v1  }
0xb6: {  	v9 =	vld [tilespmem:s24+$0x0]  }
0xb7: {  	v21 =	vld.idx.msk [tilespmem:v18+s16+$0x0], $0xffff  }
0xb8: {  	v22 =	vld.idx.msk [tilespmem:v17+s16+$0x0], $0xffff  }
0xb9: {  	v13 =	vld.idx.msk [tilespmem:v16+s16+$0x0], $0xffff  }
0xba: {  	v12 =	vld.idx.msk [tilespmem:v14+s16+$0x0], $0xffff  }
0xbb: {  	v11 =	vld.idx.msk [tilespmem:v15+s16+$0x0], $0xffff;
	v14 =	vsub.f32 v9, v10  }
0xbc: {  	v10 =	vld.idx.msk [tilespmem:v19+s16+$0x0], $0xffff  }
0xbd: {  	v9 =	vld.idx.msk [tilespmem:v20+s16+$0x0], $0xffff;
	v14 =	vmul.f32 v14, v14  }
0xbe: {  	v15 =	vld [tilespmem:s24+$0xFFFFFF90]  }
0xbf: {  	v20 =	vld [tilespmem:s24+$0xFFFFFFA0];
	v7 =	vadd.f32 v14, v7  }
.Ltmp5:
0xc0: {  	v18 =	vld [tilespmem:s24+$0xFFFFFFB0];
	(pc) =	sbr.rel @p1 .LBB2_13-.Ltmp5, $4  }
0xc1: {  	v17 =	vld [tilespmem:s24+$0xFFFFFFC0]  }
0xc2: {  	v16 =	vld [tilespmem:s24+$0xFFFFFFD0]  }
0xc3: {  	v19 =	vsub.f32 v15, v21;
	v14 =	vld [tilespmem:s24+$0xFFFFFFE0]  }
0xc4: {  	s26 =	sshra.s32 s25, $0x2;
	s25 =	sadd.s32 $0x200, s25;
	v20 =	vsub.f32 v20, v22;
	v15 =	vld [tilespmem:s24+$0xFFFFFFF0]  }
0xc5: {  	_ =	sdelay $0x3  }
0xc6: {  	v21 =	vld.idx.msk [tilespmem:v8+s26+$0x70 ss:$0x1], $0xffff  }
0xc7: {  	v22 =	vld.idx.msk [tilespmem:v8+s26+$0x0 ss:$0x1], $0xffff  }
0xc8: {  	v23 =	vld.idx.msk [tilespmem:v8+s26+$0x10 ss:$0x1], $0xffff  }
0xc9: {  	v24 =	vld.idx.msk [tilespmem:v8+s26+$0x20 ss:$0x1], $0xffff  }
0xca: {  	v25 =	vld.idx.msk [tilespmem:v8+s26+$0x30 ss:$0x1], $0xffff  }
0xcb: {  	v26 =	vld.idx.msk [tilespmem:v8+s26+$0x40 ss:$0x1], $0xffff  }
0xcc: {  	v27 =	vld.idx.msk [tilespmem:v8+s26+$0x50 ss:$0x1], $0xffff  }
0xcd: {  	v8 =	vld.idx.msk [tilespmem:v8+s26+$0x60 ss:$0x1], $0xffff;
	s0 =	sadd.s32 $0x100, s24  }
0xce: {  	v28 =	vld [tilespmem:s0+$0x0]  }
0xcf: {  	v51 =	vld [tilespmem:s0+$0xFFFFFF90]  }
0xd0: {  	v52 =	vld [tilespmem:s0+$0xFFFFFFA0]  }
0xd1: {  	v53 =	vld [tilespmem:s0+$0xFFFFFFB0]  }
0xd2: {  	v54 =	vld [tilespmem:s0+$0xFFFFFFC0]  }
0xd3: {  	v56 =	vld [tilespmem:s0+$0xFFFFFFD0]  }
0xd4: {  	v57 =	vld [tilespmem:s0+$0xFFFFFFE0]  }
0xd5: {  	v60 =	vld [tilespmem:s0+$0xFFFFFFF0]  }
0xd6: {  	v12 =	vsub.f32 v17, v12;
	v21 =	vld.idx.msk [tilespmem:v21+s16+$0x0], $0xffff  }
0xd7: {  	v19 =	vmul.f32 v19, v19;
	v13 =	vsub.f32 v18, v13;
	v50 =	vmul.f32 v20, v20;
	v22 =	vld.idx.msk [tilespmem:v22+s16+$0x0], $0xffff  }
0xd8: {  	v11 =	vsub.f32 v16, v11;
	v10 =	vsub.f32 v14, v10;
	v12 =	vmul.f32 v12, v12;
	v23 =	vld.idx.msk [tilespmem:v23+s16+$0x0], $0xffff  }
0xd9: {  	v5 =	vadd.f32 v19, v5;
	v13 =	vmul.f32 v13, v13;
	v9 =	vsub.f32 v15, v9;
	v24 =	vld.idx.msk [tilespmem:v24+s16+$0x0], $0xffff  }
0xda: {  	v11 =	vmul.f32 v11, v11;
	v12 =	vadd.f32 v12, v4;
	v4 =	vmul.f32 v10, v10;
	v25 =	vld.idx.msk [tilespmem:v25+s16+$0x0], $0xffff  }
0xdb: {  	v6 =	vadd.f32 v50, v6;
	v3 =	vadd.f32 v13, v3;
	v9 =	vmul.f32 v9, v9;
	v27 =	vld.idx.msk [tilespmem:v27+s16+$0x0], $0xffff  }
0xdc: {  	v2 =	vadd.f32 v11, v2;
	v0 =	vadd.f32 v4, v0;
	v8 =	vld.idx.msk [tilespmem:v8+s16+$0x0], $0xffff  }
0xdd: {  	v26 =	vld.idx.msk [tilespmem:v26+s16+$0x0], $0xffff;
	v9 =	vadd.f32 v9, v1;
	v55 =	vsub.f32 v28, v21  }
0xde: {  	p1 =	sne.s32 s23, $0x1;
	s23 =	sadd.s32 $0x1, s23;
	v59 =	vsub.f32 v51, v22;
	v1 =	vsub.f32 v52, v23  }
0xdf: {  	s0 =	simm.s32 @!p1 $0x80;
	s24 =	simm.s32 @!p1 $0x400;
	s25 =	simm.s32 @!p1 $0x4000;
	v61 =	vsub.f32 v53, v24;
	v62 =	vsub.f32 v54, v25  }
0xe0: {  	[tilespmem:s25], [sflag:$0x2] =	stream.strided.gather @!p1 [hbm4b:s11+s0], $0x18700, s24, s0, $0x38;
	v10 =	vsub.f32 v57, v27;
	v58 =	vmul.f32 v55, v55;
	v4 =	vmul.f32 v59, v59;
	[tilespmem:$0x1E780] =	vst v63  }
0xe1: {  	p1 =	sne.s32 s23, $0x4;
	v8 =	vsub.f32 v60, v8;
	v1 =	vmul.f32 v1, v1;
	v11 =	vmul.f32 v61, v61  }
.Ltmp6:
0xe2: {  	v10 =	vmul.f32 v10, v10;
	v4 =	vadd.f32 v4, v5;
	v5 =	vsub.f32 v56, v26;
	(pc) =	sbr.rel @p1 .LBB2_4-.Ltmp6, $4  }
0xe3: {  	v8 =	vmul.f32 v8, v8;
	v6 =	vadd.f32 v1, v6;
	v1 =	vmul.f32 v62, v62  }
0xe4: {  	v7 =	vadd.f32 v58, v7;
	v63 =	vmul.f32 v5, v5;
	v5 =	vadd.f32 v11, v3  }
0xe5: {  	v3 =	vadd.f32 v1, v12;
	v1 =	vadd.f32 v10, v0  }
0xe6: {  	p0 =	por !p0, !p0;
	v0 =	vadd.f32 v8, v9;
	v2 =	vadd.f32 v63, v2  }
0xe7: {  	v4 =	vadd.f32 v6, v4;
	v3 =	vadd.f32 v3, v5  }
0xe8: {  	v1 =	vadd.f32 v1, v2;
	v0 =	vadd.f32 v7, v0;
	_ =	sdelay $0x1  }
0xe9: {  	v63 =	vadd.f32 v3, v4;
	v0 =	vadd.f32 v0, v1;
	_ =	sdelay $0x1  }
0xea: {  	v0 =	vadd.f32 v0, v63;
	_ =	sdelay $0x1  }
0xeb: {  	s22 =	sadd.s32 $0x1, s22;
	v0 =	vmul.f32 $2.861022970e-09, v0  }
0xec: {  	p0 =	sne.s32 s22, s13  }
.Ltmp7:
0xed: {  	[tilespmem:$0x1E700] =	vst v0;
	(pc) =	sbr.rel @p0 .LBB2_1-.Ltmp7, $4  }
0xee: {  	[hbm4b:s12+s5] =	stream.linear.scatter [tilespmem:s20], [sflag:$0x5], $0x10, $0x38;
	[tilespmem:$0x1E780] =	vst v63  }
0xef: {  	_ =	swait.ge [sflag:s21], $0x10  }
0xf0: {  	[sflag:s21] =	ssyncset.done $0x0  }
0xf1: {  	[sflag:s21] =	ssyncadd.s32 $0xFFFFFFF0  }
0xf2: {  	_ =	sfence.sel $0x180000  }
0xf3: {  	[bflag:$0x0] =	sbarrier.arrive $0xFFFF  }
0xf4: {  	_ =	strace $0x90000047  }
0xf5: {  	[bflag:$0x2] =	sbarrier.arrive $0xFFFF  }
0xf6: {  	p0 =	sne.s32 s2, $0x0;
	s0 =	rddreg [dreg:$0x4]  }
0xf7: {  	s0 =	sadd.s32 @!p0 $0x100000, s0  }
0xf8: {  	[sflag:s0] =	ssyncadd.tile.s32 @!p0 $0x1;
	_ =	shalt  }
.Lfunc_end2:
_tile_overlayer_lowered:
.L_overlay_start_2:
0xf9: {  	(tag) =	ssettag $0x2  }
0xfa: {  	s0 =	rddreg [dreg:$0x0];
	s2 =	stileid.u32  }
0xfb: {  	s1 =	rddreg [dreg:$0x1];
	p0 =	sne.s32 s2, $0x0  }
0xfc: {  	s3 =	rddreg [dreg:$0x2];
	[bflag:$0x3] =	sbarrier.arrive $0xFFFF;
	s2 =	simm.s32 @!p0 $0x1C05  }
0xfd: {  	[timem:s3], [sflag:s2] =	dma.local @!p0 [hbm:s0], s1  }
0xfe: {  	s0 =	simm.s32 @!p0 $0x5  }
0xff: {  	_ =	swait.ge @!p0 [sflag:s0], s1  }
0x100: {  	s1 =	ssub.s32 @!p0 $0x0, s1;
	[sflag:s0] =	ssyncset.done @!p0 $0x0  }
0x101: {  	[sflag:s0] =	ssyncadd.s32 @!p0 s1  }
0x102: {  	[bflag:$0x3] =	sbarrier.arrive $0xFFFF  }
0x103: {  	_ =	shalt  }

</sc_bundles>
